<compile_context>
chip_gen: v7x
topology: tpu7x:2x2x1
jax: 0.10.2.dev20260603
libtpu: 0.0.44.dev20260713+nightly
codegen_flags: <defaults>
</compile_context>

<pallas_src>
import functools

import jax
import jax.numpy as jnp
from jax import lax
from jax.experimental import pallas as pl
from jax.experimental.pallas import tpu as pltpu
from jax.experimental.pallas import tpu_sc as plsc

_B, _N, _D = 16, 2048, 3
_TILE = 256
_BIG = 1e30
_SC_L = 16


def _chamfer_tc_body(x_ref, yt_ref, inp_ref, outp_ref, acc_ref):
    x = x_ref[0]
    in_pid = inp_ref[0]
    out_pid = outp_ref[0]

    in_mask_c = in_pid != 0
    out_mask_r = out_pid != 0

    n_in = jnp.sum(in_mask_c.astype(jnp.float32))
    n_out = jnp.sum(out_mask_r.astype(jnp.float32))

    x0c = x[:, 0:1]
    x1c = x[:, 1:2]
    x2c = x[:, 2:3]
    xn2f = x0c * x0c + x1c * x1c + x2c * x2c
    x_norm = jnp.sqrt(xn2f)
    x_norm_sum = jnp.sum(jnp.where(in_mask_c, x_norm, 0.0))

    xb = x.astype(jnp.bfloat16)
    ybt = yt_ref[0].astype(jnp.bfloat16)
    xbf0 = xb[:, 0:1].astype(jnp.float32)
    xbf1 = xb[:, 1:2].astype(jnp.float32)
    xbf2 = xb[:, 2:3].astype(jnp.float32)
    xn2 = xbf0 * xbf0 + xbf1 * xbf1 + xbf2 * xbf2
    ybf0 = ybt[0:1, :].astype(jnp.float32)
    ybf1 = ybt[1:2, :].astype(jnp.float32)
    ybf2 = ybt[2:3, :].astype(jnp.float32)
    yn2 = ybf0 * ybf0 + ybf1 * ybf1 + ybf2 * ybf2

    c_row = yn2 + jnp.where(out_mask_r, 0.0, _BIG)
    a_col = xn2 + jnp.where(in_mask_c, 0.0, _BIG)

    a_hi = a_col.astype(jnp.bfloat16)
    a_lo = (a_col - a_hi.astype(jnp.float32)).astype(jnp.bfloat16)
    c_hi = c_row.astype(jnp.bfloat16)
    c_lo = (c_row - c_hi.astype(jnp.float32)).astype(jnp.bfloat16)

    ones_c = jnp.ones((_N, 1), jnp.bfloat16)
    ones_r = jnp.ones((1, _N), jnp.bfloat16)
    xp = jnp.concatenate(
        [xb * jnp.bfloat16(-2.0), ones_c, ones_c, a_hi, a_lo],
        axis=1)
    yp = jnp.concatenate(
        [ybt, c_hi, c_lo, ones_r, ones_r], axis=0)

    colmin = jnp.full((1, _N), _BIG, dtype=jnp.float32)
    row_mins = []
    for t in range(_N // _TILE):
        sl = slice(t * _TILE, (t + 1) * _TILE)
        m = jax.lax.dot_general(
            xp[sl, :], yp,
            dimension_numbers=(((1,), (0,)), ((), ())),
            preferred_element_type=jnp.float32)

        row_mins.append(jnp.min(m, axis=1, keepdims=True))
        colmin = jnp.minimum(colmin, jnp.min(m, axis=0, keepdims=True))

    row_min_all = jnp.maximum(jnp.concatenate(row_mins, axis=0), 0.0)
    rowsum = jnp.sum(jnp.where(in_mask_c, jnp.sqrt(row_min_all), 0.0))

    colmin = jnp.maximum(colmin, 0.0)
    sum_yx = jnp.sum(jnp.where(out_mask_r, jnp.sqrt(colmin), 0.0))

    n_in_part = jnp.maximum(1.0, n_in)
    n_out_part = jnp.maximum(1.0, n_out)

    chamfer = 0.5 * (rowsum / n_out_part + sum_yx / n_in_part)
    contrib = jnp.where(
        n_out == 0.0,
        x_norm_sum / n_in_part,
        jnp.where(n_in == 0.0, 0.0, chamfer),
    )
    acc_ref[0] = jnp.full((8, 128), 1.0 / _B, jnp.float32) * contrib


def _sc_rsqrt(sq):
    i = lax.bitcast_convert_type(sq, jnp.int32)
    i = jnp.int32(0x5F3759DF) - (i >> 1)
    g = lax.bitcast_convert_type(i, jnp.float32)
    for _ in range(3):
        g = g * (1.5 - 0.5 * sq * g * g)
    return g


def _ez_sc_body(yt_hbm, pid_hbm, out_hbm, y_v, pid_v, res_v, sem):
    wid = lax.axis_index("s") * 2 + lax.axis_index("c")

    @pl.when(wid < _B)
    def _():
        pltpu.async_copy(yt_hbm.at[wid], y_v, sem).wait()
        pltpu.async_copy(pid_hbm.at[wid], pid_v, sem).wait()

        def body(i, carry):
            s, c = carry
            sl = pl.ds(i * _SC_L, _SC_L)
            y0 = y_v[0, sl]
            y1 = y_v[1, sl]
            y2 = y_v[2, sl]
            sq = jnp.maximum(y0 * y0 + y1 * y1 + y2 * y2, 1e-35)
            norm = sq * _sc_rsqrt(sq)
            mask = pid_v[sl] == 0
            s = s + jnp.where(mask, norm, 0.0)
            c = c + jnp.where(mask, 1.0, 0.0)
            return s, c

        zero = jnp.zeros((_SC_L,), jnp.float32)
        s, c = lax.fori_loop(0, _N // _SC_L, body, (zero, zero))
        num = zero + jnp.sum(s)
        den = zero + jnp.maximum(1.0, jnp.sum(c))
        res_v[...] = num / den
        pltpu.sync_copy(res_v, out_hbm.at[wid])


_ez_sc_kernel = functools.partial(
    pl.kernel,
    mesh=plsc.VectorSubcoreMesh(core_axis_name="c", subcore_axis_name="s"),
    compiler_params=pltpu.CompilerParams(needs_layout_passes=False),
    out_type=jax.ShapeDtypeStruct((_B, _SC_L), jnp.float32),
    scratch_types=[
        pltpu.VMEM((_D, _N), jnp.float32),
        pltpu.VMEM((_N,), jnp.int32),
        pltpu.VMEM((_SC_L,), jnp.float32),
        pltpu.SemaphoreType.DMA,
    ],
)(_ez_sc_body)


@jax.jit
def kernel(target, reco, in_pid, out_pid):
    in_c = in_pid.astype(jnp.int32)[..., None]
    out_r = out_pid.astype(jnp.int32)[:, None, :]
    yt = jnp.transpose(reco, (0, 2, 1))

    ez_rows = _ez_sc_kernel(yt, out_pid.astype(jnp.int32))

    acc = pl.pallas_call(
        _chamfer_tc_body,
        grid=(_B,),
        in_specs=[
            pl.BlockSpec((1, _N, _D), lambda b: (b, 0, 0)),
            pl.BlockSpec((1, _D, _N), lambda b: (b, 0, 0)),
            pl.BlockSpec((1, _N, 1), lambda b: (b, 0, 0)),
            pl.BlockSpec((1, 1, _N), lambda b: (b, 0, 0)),
        ],
        out_specs=pl.BlockSpec((1, 8, 128), lambda b: (b, 0, 0)),
        out_shape=jax.ShapeDtypeStruct((_B, 8, 128), jnp.float32),
    )(target, yt, in_c, out_r)

    return jnp.sum(acc[:, 0, 0]), jnp.mean(ez_rows[:, 0])

# --- scband reference (transcript-rebuilt; emitter-appended) ---
"""Pipeline reference for scband-chamfer-loss-split-81423989997793 (READ-ONLY COPY).

The authoritative reference and input builder live on the scoring server;
editing this copy changes nothing except your own understanding.
"""

import jax, jax.numpy as jnp
import numpy as np


def setup_inputs(seed: int = 0) -> dict:
    key = jax.random.key(seed)
    k1, k2, k3, k4 = jax.random.split(key, 4)
    target = jax.random.normal(k1, (16, 2048, 3), dtype=jnp.float32)
    reco = jax.random.normal(k2, (16, 2048, 3), dtype=jnp.float32)
    in_pid = jax.random.randint(k3, (16, 2048), 0, 4, dtype=jnp.int64) if jax.config.jax_enable_x64 else jax.random.randint(k3, (16, 2048), 0, 4, dtype=jnp.int32)
    out_pid = jax.random.randint(k4, (16, 2048), 0, 4, dtype=jnp.int64) if jax.config.jax_enable_x64 else jax.random.randint(k4, (16, 2048), 0, 4, dtype=jnp.int32)
    return {"target": target, "reco": reco, "in_pid": in_pid, "out_pid": out_pid}


def reference(target, reco, in_pid, out_pid):
    B = target.shape[0]
    eucl_non_zero = 0.0
    eucl_zero = 0.0
    for ib in range(B):
        x_ib = target[ib]
        y_ib = reco[ib]
        in_mask = in_pid[ib] != 0
        out_mask = out_pid[ib] != 0
        zero_mask = out_pid[ib] == 0
        n_in = jnp.sum(in_mask)
        n_out = jnp.sum(out_mask)
        n_zero = jnp.sum(zero_mask)
        n_in_part = jnp.maximum(1, n_in).astype(x_ib.dtype)
        n_out_part = jnp.maximum(1, n_out).astype(x_ib.dtype)
        x_norm_sum = jnp.sum(jnp.where(in_mask, jnp.linalg.norm(x_ib, axis=-1), 0.0))
        diff = x_ib[:, None, :] - y_ib[None, :, :]
        dist = jnp.linalg.norm(diff, axis=-1)
        dist_xy = jnp.where(out_mask[None, :], dist, jnp.inf)
        dist_yx = jnp.where(in_mask[:, None], dist, jnp.inf)
        min_dist_xy = jnp.min(dist_xy, axis=-1)
        min_dist_yx = jnp.min(dist_yx, axis=-2)
        sum_xy = jnp.sum(jnp.where(in_mask, min_dist_xy, 0.0))
        sum_yx = jnp.sum(jnp.where(out_mask, min_dist_yx, 0.0))
        chamfer = 0.5 * (sum_xy / n_out_part + sum_yx / n_in_part)
        contrib = jnp.where(
            n_out == 0,
            x_norm_sum / n_in_part,
            jnp.where(n_in == 0, 0.0, chamfer),
        )
        eucl_non_zero = eucl_non_zero + contrib
        n_out_zero_part = jnp.maximum(1, n_zero).astype(y_ib.dtype)
        y_zero_sum = jnp.sum(jnp.where(zero_mask, jnp.linalg.norm(y_ib, axis=-1), 0.0))
        eucl_zero = eucl_zero + y_zero_sum / n_out_zero_part
    eucl_non_zero = eucl_non_zero / B
    eucl_zero = eucl_zero / B
    return (eucl_non_zero, eucl_zero)

if __name__ == "__main__":
    import jax
    _d = setup_inputs()
    print(jax.jit(kernel)(*tuple(_d.values())))

</pallas_src>

<mosaic_0001>
#map = affine_map<(d0, d1) -> (0, 0, 0)>
#map1 = affine_map<(d0, d1) -> (0, 0)>
module attributes {stable_mosaic.version = 14 : i64} {
  func.func @_ez_sc_body(%arg0: i32, %arg1: i32, %arg2: memref<16x3x2048xf32, #tpu.memory_space<hbm>>, %arg3: memref<16x2048xi32, #tpu.memory_space<hbm>>, %arg4: memref<16x16xf32, #tpu.memory_space<hbm>>, %arg5: memref<3x2048xf32, #tpu.memory_space<vmem>>, %arg6: memref<2048xi32, #tpu.memory_space<vmem>>, %arg7: memref<16xf32, #tpu.memory_space<vmem>>, %arg8: memref<!tpu.dma_semaphore, #tpu.memory_space<semaphore_mem>>) attributes {dimension_semantics = [#tpu.dimension_semantics<core_parallel>, #tpu.dimension_semantics<subcore_parallel>], iteration_bounds = array<i64: 2, 16>, scalar_prefetch = 0 : i64, scratch_operands = 4 : i64, tpu.core_type = #tpu.core_type<sc_vector_subcore>, window_params = [{transform_indices = #map}, {transform_indices = #map1}, {transform_indices = #map1}]} {
    %mul3A = arith.constant 2 : i32
    %mul3A_0 = arith.muli %arg1, %mul3A : i32
    %add3A = arith.addi %mul3A_0, %arg0 : i32
    %lt3A = arith.constant 16 : i32
    %lt3A_1 = arith.cmpi slt, %add3A, %lt3A : i32
    %convert_element_type3A = arith.extui %lt3A_1 : i1 to i32
    %cond3A = arith.constant 0 : i32
    %cond3A_2 = arith.cmpi ne, %convert_element_type3A, %cond3A : i32
    scf.if %cond3A_2 {
      %dma_start3A = arith.constant 0 : i32
      %dma_start3A_3 = arith.constant 0 : i32
      %dma_start3A_4 = tpu.memref_slice %arg2[%add3A, %dma_start3A, %dma_start3A_3] : memref<16x3x2048xf32, #tpu.memory_space<hbm>> -> memref<1x3x2048xf32, #tpu.memory_space<hbm>>
      %dma_start3A_5 = tpu.memref_squeeze %dma_start3A_4 : memref<1x3x2048xf32, #tpu.memory_space<hbm>> -> memref<3x2048xf32, #tpu.memory_space<hbm>>
      %dma_start3A_6 = arith.constant 0 : i32
      %dma_start3A_7 = arith.constant 0 : i32
      %dma_start3A_8 = tpu.memref_slice %arg2[%add3A, %dma_start3A_6, %dma_start3A_7] : memref<16x3x2048xf32, #tpu.memory_space<hbm>> -> memref<1x3x2048xf32, #tpu.memory_space<hbm>>
      %dma_start3A_9 = tpu.memref_squeeze %dma_start3A_8 : memref<1x3x2048xf32, #tpu.memory_space<hbm>> -> memref<3x2048xf32, #tpu.memory_space<hbm>>
      tpu.enqueue_dma source(%dma_start3A_9 : memref<3x2048xf32, #tpu.memory_space<hbm>>) target(%arg5 : memref<3x2048xf32, #tpu.memory_space<vmem>>) target_semaphore(%arg8 : memref<!tpu.dma_semaphore, #tpu.memory_space<semaphore_mem>>)
      %dma_wait3A = arith.constant 0 : i32
      %dma_wait3A_10 = arith.constant 0 : i32
      %dma_wait3A_11 = tpu.memref_slice %arg2[%add3A, %dma_wait3A, %dma_wait3A_10] : memref<16x3x2048xf32, #tpu.memory_space<hbm>> -> memref<1x3x2048xf32, #tpu.memory_space<hbm>>
      %dma_wait3A_12 = tpu.memref_squeeze %dma_wait3A_11 : memref<1x3x2048xf32, #tpu.memory_space<hbm>> -> memref<3x2048xf32, #tpu.memory_space<hbm>>
      %dma_wait3A_13 = arith.constant 0 : i32
      %dma_wait3A_14 = arith.constant 0 : i32
      %dma_wait3A_15 = tpu.memref_slice %arg2[%add3A, %dma_wait3A_13, %dma_wait3A_14] : memref<16x3x2048xf32, #tpu.memory_space<hbm>> -> memref<1x3x2048xf32, #tpu.memory_space<hbm>>
      %dma_wait3A_16 = tpu.memref_squeeze %dma_wait3A_15 : memref<1x3x2048xf32, #tpu.memory_space<hbm>> -> memref<3x2048xf32, #tpu.memory_space<hbm>>
      tpu.wait_dma2 semaphore(%arg8 : memref<!tpu.dma_semaphore, #tpu.memory_space<semaphore_mem>>) src(%dma_wait3A_16 : memref<3x2048xf32, #tpu.memory_space<hbm>>) dst(%arg5 : memref<3x2048xf32, #tpu.memory_space<vmem>>)
      %dma_start3A_17 = arith.constant 0 : i32
      %dma_start3A_18 = tpu.memref_slice %arg3[%add3A, %dma_start3A_17] : memref<16x2048xi32, #tpu.memory_space<hbm>> -> memref<1x2048xi32, #tpu.memory_space<hbm>>
      %dma_start3A_19 = tpu.memref_squeeze %dma_start3A_18 : memref<1x2048xi32, #tpu.memory_space<hbm>> -> memref<2048xi32, #tpu.memory_space<hbm>>
      %dma_start3A_20 = arith.constant 0 : i32
      %dma_start3A_21 = tpu.memref_slice %arg3[%add3A, %dma_start3A_20] : memref<16x2048xi32, #tpu.memory_space<hbm>> -> memref<1x2048xi32, #tpu.memory_space<hbm>>
      %dma_start3A_22 = tpu.memref_squeeze %dma_start3A_21 : memref<1x2048xi32, #tpu.memory_space<hbm>> -> memref<2048xi32, #tpu.memory_space<hbm>>
      tpu.enqueue_dma source(%dma_start3A_22 : memref<2048xi32, #tpu.memory_space<hbm>>) target(%arg6 : memref<2048xi32, #tpu.memory_space<vmem>>) target_semaphore(%arg8 : memref<!tpu.dma_semaphore, #tpu.memory_space<semaphore_mem>>)
      %dma_wait3A_23 = arith.constant 0 : i32
      %dma_wait3A_24 = tpu.memref_slice %arg3[%add3A, %dma_wait3A_23] : memref<16x2048xi32, #tpu.memory_space<hbm>> -> memref<1x2048xi32, #tpu.memory_space<hbm>>
      %dma_wait3A_25 = tpu.memref_squeeze %dma_wait3A_24 : memref<1x2048xi32, #tpu.memory_space<hbm>> -> memref<2048xi32, #tpu.memory_space<hbm>>
      %dma_wait3A_26 = arith.constant 0 : i32
      %dma_wait3A_27 = tpu.memref_slice %arg3[%add3A, %dma_wait3A_26] : memref<16x2048xi32, #tpu.memory_space<hbm>> -> memref<1x2048xi32, #tpu.memory_space<hbm>>
      %dma_wait3A_28 = tpu.memref_squeeze %dma_wait3A_27 : memref<1x2048xi32, #tpu.memory_space<hbm>> -> memref<2048xi32, #tpu.memory_space<hbm>>
      tpu.wait_dma2 semaphore(%arg8 : memref<!tpu.dma_semaphore, #tpu.memory_space<semaphore_mem>>) src(%dma_wait3A_28 : memref<2048xi32, #tpu.memory_space<hbm>>) dst(%arg6 : memref<2048xi32, #tpu.memory_space<vmem>>)
      %broadcast_in_dim3A = arith.constant 0.000000e+00 : f32
      %broadcast_in_dim3A_29 = vector.broadcast %broadcast_in_dim3A : f32 to vector<16xf32>
      %scan3A = arith.constant 0 : i32
      %scan3A_30 = arith.constant 128 : i32
      %scan3A_31 = arith.addi %scan3A, %scan3A_30 : i32
      %scan3A_32 = arith.constant 1 : i32
      %scan3A_33:2 = scf.for %scan3A_48 = %scan3A to %scan3A_31 step %scan3A_32 iter_args(%scan3A_49 = %broadcast_in_dim3A_29, %scan3A_50 = %broadcast_in_dim3A_29) -> (vector<16xf32>, vector<16xf32>)  : i32 {
        %mul3A_51 = arith.constant 16 : i32
        %mul3A_52 = arith.muli %scan3A_48, %mul3A_51 : i32
        %get3A = arith.constant 0 : i32
        %get3A_53 = arith.index_cast %get3A : i32 to index
        %get3A_54 = arith.index_cast %mul3A_52 : i32 to index
        %get3A_55 = tpu.vector_load %arg5[%get3A_53, %get3A_54] {strides = array<i32>} : memref<3x2048xf32, #tpu.memory_space<vmem>>, vector<16xf32>,
        %get3A_56 = arith.constant 1 : i32
        %get3A_57 = arith.index_cast %get3A_56 : i32 to index
        %get3A_58 = arith.index_cast %mul3A_52 : i32 to index
        %get3A_59 = tpu.vector_load %arg5[%get3A_57, %get3A_58] {strides = array<i32>} : memref<3x2048xf32, #tpu.memory_space<vmem>>, vector<16xf32>,
        %get3A_60 = arith.constant 2 : i32
        %get3A_61 = arith.index_cast %get3A_60 : i32 to index
        %get3A_62 = arith.index_cast %mul3A_52 : i32 to index
        %get3A_63 = tpu.vector_load %arg5[%get3A_61, %get3A_62] {strides = array<i32>} : memref<3x2048xf32, #tpu.memory_space<vmem>>, vector<16xf32>,
        %mul3A_64 = arith.mulf %get3A_55, %get3A_55 : vector<16xf32>
        %mul3A_65 = arith.mulf %get3A_59, %get3A_59 : vector<16xf32>
        %add3A_66 = arith.addf %mul3A_64, %mul3A_65 : vector<16xf32>
        %mul3A_67 = arith.mulf %get3A_63, %get3A_63 : vector<16xf32>
        %add3A_68 = arith.addf %add3A_66, %mul3A_67 : vector<16xf32>
        %max3A_69 = arith.constant 1.000000e-35 : f32
        %max3A_70 = vector.broadcast %max3A_69 : f32 to vector<16xf32>
        %max3A_71 = arith.maximumf %add3A_68, %max3A_70 : vector<16xf32>
        %bitcast_convert_type3A = tpu.bitcast %max3A_71 : vector<16xf32> -> vector<16xi32>
        %shift_right_arithmetic3A = arith.constant 1 : i32
        %shift_right_arithmetic3A_72 = vector.broadcast %shift_right_arithmetic3A : i32 to vector<16xi32>
        %shift_right_arithmetic3A_73 = arith.shrsi %bitcast_convert_type3A, %shift_right_arithmetic3A_72 : vector<16xi32>
        %sub3A = arith.constant 1597463007 : i32
        %sub3A_74 = vector.broadcast %sub3A : i32 to vector<16xi32>
        %sub3A_75 = arith.subi %sub3A_74, %shift_right_arithmetic3A_73 : vector<16xi32>
        %bitcast_convert_type3A_76 = tpu.bitcast %sub3A_75 : vector<16xi32> -> vector<16xf32>
        %mul3A_77 = arith.constant 5.000000e-01 : f32
        %mul3A_78 = vector.broadcast %mul3A_77 : f32 to vector<16xf32>
        %mul3A_79 = arith.mulf %mul3A_78, %max3A_71 : vector<16xf32>
        %mul3A_80 = arith.mulf %mul3A_79, %bitcast_convert_type3A_76 : vector<16xf32>
        %mul3A_81 = arith.mulf %mul3A_80, %bitcast_convert_type3A_76 : vector<16xf32>
        %sub3A_82 = arith.constant 1.500000e+00 : f32
        %sub3A_83 = vector.broadcast %sub3A_82 : f32 to vector<16xf32>
        %sub3A_84 = arith.subf %sub3A_83, %mul3A_81 : vector<16xf32>
        %mul3A_85 = arith.mulf %bitcast_convert_type3A_76, %sub3A_84 : vector<16xf32>
        %mul3A_86 = arith.constant 5.000000e-01 : f32
        %mul3A_87 = vector.broadcast %mul3A_86 : f32 to vector<16xf32>
        %mul3A_88 = arith.mulf %mul3A_87, %max3A_71 : vector<16xf32>
        %mul3A_89 = arith.mulf %mul3A_88, %mul3A_85 : vector<16xf32>
        %mul3A_90 = arith.mulf %mul3A_89, %mul3A_85 : vector<16xf32>
        %sub3A_91 = arith.constant 1.500000e+00 : f32
        %sub3A_92 = vector.broadcast %sub3A_91 : f32 to vector<16xf32>
        %sub3A_93 = arith.subf %sub3A_92, %mul3A_90 : vector<16xf32>
        %mul3A_94 = arith.mulf %mul3A_85, %sub3A_93 : vector<16xf32>
        %mul3A_95 = arith.constant 5.000000e-01 : f32
        %mul3A_96 = vector.broadcast %mul3A_95 : f32 to vector<16xf32>
        %mul3A_97 = arith.mulf %mul3A_96, %max3A_71 : vector<16xf32>
        %mul3A_98 = arith.mulf %mul3A_97, %mul3A_94 : vector<16xf32>
        %mul3A_99 = arith.mulf %mul3A_98, %mul3A_94 : vector<16xf32>
        %sub3A_100 = arith.constant 1.500000e+00 : f32
        %sub3A_101 = vector.broadcast %sub3A_100 : f32 to vector<16xf32>
        %sub3A_102 = arith.subf %sub3A_101, %mul3A_99 : vector<16xf32>
        %mul3A_103 = arith.mulf %mul3A_94, %sub3A_102 : vector<16xf32>
        %mul3A_104 = arith.mulf %max3A_71, %mul3A_103 : vector<16xf32>
        %get3A_105 = arith.index_cast %mul3A_52 : i32 to index
        %get3A_106 = tpu.vector_load %arg6[%get3A_105] {strides = array<i32>} : memref<2048xi32, #tpu.memory_space<vmem>>, vector<16xi32>,
        %eq3A = arith.constant 0 : i32
        %eq3A_107 = vector.broadcast %eq3A : i32 to vector<16xi32>
        %eq3A_108 = arith.cmpi eq, %get3A_106, %eq3A_107 : vector<16xi32>
        %jit3A = arith.constant 0.000000e+00 : f32
        %broadcast_in_dim3A_109 = vector.broadcast %jit3A : f32 to vector<16xf32>
        %select_n3A = arith.select %eq3A_108, %mul3A_104, %broadcast_in_dim3A_109 : vector<16xi1>, vector<16xf32>
        %add3A_110 = arith.addf %scan3A_49, %select_n3A : vector<16xf32>
        %jit3A_111 = arith.constant 1.000000e+00 : f32
        %jit3A_112 = arith.constant 0.000000e+00 : f32
        %broadcast_in_dim3A_113 = vector.broadcast %jit3A_111 : f32 to vector<16xf32>
        %broadcast_in_dim3A_114 = vector.broadcast %jit3A_112 : f32 to vector<16xf32>
        %select_n3A_115 = arith.select %eq3A_108, %broadcast_in_dim3A_113, %broadcast_in_dim3A_114 : vector<16xi1>, vector<16xf32>
        %add3A_116 = arith.addf %scan3A_50, %select_n3A_115 : vector<16xf32>
        scf.yield %add3A_110, %add3A_116 : vector<16xf32>, vector<16xf32>
      }
      %scan3A_34 = arith.constant 128 : i32
      %reduce_sum3A = arith.constant true
      %reduce_sum3A_35 = vector.broadcast %reduce_sum3A : i1 to vector<16xi1>
      %reduce_sum3A_36 = tpu.scan <sum>, %scan3A_33#0 masked %reduce_sum3A_35 : vector<16xf32>, vector<16xi1> -> vector<16xf32>
      %reduce_sum3A_37 = vector.extract %reduce_sum3A_36[15] : f32 from vector<16xf32>
      %add3A_38 = vector.broadcast %reduce_sum3A_37 : f32 to vector<16xf32>
      %add3A_39 = arith.addf %broadcast_in_dim3A_29, %add3A_38 : vector<16xf32>
      %reduce_sum3A_40 = arith.constant true
      %reduce_sum3A_41 = vector.broadcast %reduce_sum3A_40 : i1 to vector<16xi1>
      %reduce_sum3A_42 = tpu.scan <sum>, %scan3A_33#1 masked %reduce_sum3A_41 : vector<16xf32>, vector<16xi1> -> vector<16xf32>
      %reduce_sum3A_43 = vector.extract %reduce_sum3A_42[15] : f32 from vector<16xf32>
      %max3A = arith.constant 1.000000e+00 : f32
      %max3A_44 = arith.maximumf %max3A, %reduce_sum3A_43 : f32
      %add3A_45 = vector.broadcast %max3A_44 : f32 to vector<16xf32>
      %add3A_46 = arith.addf %broadcast_in_dim3A_29, %add3A_45 : vector<16xf32>
      %div3A = arith.divf %add3A_39, %add3A_46 : vector<16xf32>
      %swap3A = arith.constant 0 : index
      %swap3A_47 = tpu.vector_load %arg7[%swap3A] {strides = array<i32>} : memref<16xf32, #tpu.memory_space<vmem>>, vector<16xf32>,
      tpu.vector_store %arg7[%swap3A], %div3A {strides = array<i32>} : memref<16xf32, #tpu.memory_space<vmem>>, vector<16xf32>,
      "tpu.region"() ({
        %run_scoped3A = tpu.sem_alloc : memref<!tpu.dma_semaphore, #tpu.memory_space<semaphore_mem>>
        %dma_start3A_48 = arith.constant 0 : i32
        %dma_start3A_49 = tpu.memref_slice %arg4[%add3A, %dma_start3A_48] : memref<16x16xf32, #tpu.memory_space<hbm>> -> memref<1x16xf32, #tpu.memory_space<hbm>>
        %dma_start3A_50 = tpu.memref_squeeze %dma_start3A_49 : memref<1x16xf32, #tpu.memory_space<hbm>> -> memref<16xf32, #tpu.memory_space<hbm>>
        %dma_start3A_51 = arith.constant 0 : i32
        %dma_start3A_52 = tpu.memref_slice %arg4[%add3A, %dma_start3A_51] : memref<16x16xf32, #tpu.memory_space<hbm>> -> memref<1x16xf32, #tpu.memory_space<hbm>>
        %dma_start3A_53 = tpu.memref_squeeze %dma_start3A_52 : memref<1x16xf32, #tpu.memory_space<hbm>> -> memref<16xf32, #tpu.memory_space<hbm>>
        tpu.enqueue_dma source(%arg7 : memref<16xf32, #tpu.memory_space<vmem>>) target(%dma_start3A_53 : memref<16xf32, #tpu.memory_space<hbm>>) target_semaphore(%run_scoped3A : memref<!tpu.dma_semaphore, #tpu.memory_space<semaphore_mem>>)
        %dma_wait3A_54 = arith.constant 0 : i32
        %dma_wait3A_55 = tpu.memref_slice %arg4[%add3A, %dma_wait3A_54] : memref<16x16xf32, #tpu.memory_space<hbm>> -> memref<1x16xf32, #tpu.memory_space<hbm>>
        %dma_wait3A_56 = tpu.memref_squeeze %dma_wait3A_55 : memref<1x16xf32, #tpu.memory_space<hbm>> -> memref<16xf32, #tpu.memory_space<hbm>>
        %dma_wait3A_57 = arith.constant 0 : i32
        %dma_wait3A_58 = tpu.memref_slice %arg4[%add3A, %dma_wait3A_57] : memref<16x16xf32, #tpu.memory_space<hbm>> -> memref<1x16xf32, #tpu.memory_space<hbm>>
        %dma_wait3A_59 = tpu.memref_squeeze %dma_wait3A_58 : memref<1x16xf32, #tpu.memory_space<hbm>> -> memref<16xf32, #tpu.memory_space<hbm>>
        tpu.wait_dma2 semaphore(%run_scoped3A : memref<!tpu.dma_semaphore, #tpu.memory_space<semaphore_mem>>) src(%arg7 : memref<16xf32, #tpu.memory_space<vmem>>) dst(%dma_wait3A_59 : memref<16xf32, #tpu.memory_space<hbm>>)
        tpu.yield
      }) : () -> ()
    } else {
    }
    return
  }
}

module attributes {stable_mosaic.version = 14 : i64} {
  func.func @_chamfer_tc_body(%arg0: i32, %arg1: memref<1x2048x3xf32, #tpu.memory_space<vmem>>, %arg2: memref<1x3x2048xf32, #tpu.memory_space<vmem>>, %arg3: memref<1x2048x1xi32, #tpu.memory_space<vmem>>, %arg4: memref<1x1x2048xi32, #tpu.memory_space<vmem>>, %arg5: memref<1x8x128xf32, #tpu.memory_space<vmem>>) attributes {dimension_semantics = [#tpu.dimension_semantics<arbitrary>], iteration_bounds = array<i64: 16>, scalar_prefetch = 0 : i64, scratch_operands = 0 : i64, tpu.core_type = #tpu.core_type<tc>, window_params = [{transform_indices = @transform_0, window_bounds = array<i64: 1, 2048, 3>}, {transform_indices = @transform_1, window_bounds = array<i64: 1, 3, 2048>}, {transform_indices = @transform_2, window_bounds = array<i64: 1, 2048, 1>}, {transform_indices = @transform_3, window_bounds = array<i64: 1, 1, 2048>}, {transform_indices = @transform_4, window_bounds = array<i64: 1, 8, 128>}]} {
    %get3A = arith.constant 0 : index
    %get3A_0 = arith.constant 0 : index
    %get3A_1 = arith.constant 0 : index
    %get3A_2 = vector.load %arg1[%get3A, %get3A_0, %get3A_1] : memref<1x2048x3xf32, #tpu.memory_space<vmem>>, vector<1x2048x3xf32>
    %get3A_3 = vector.shape_cast %get3A_2 : vector<1x2048x3xf32> to vector<2048x3xf32>
    %get3A_4 = arith.constant 0 : index
    %get3A_5 = arith.constant 0 : index
    %get3A_6 = arith.constant 0 : index
    %get3A_7 = vector.load %arg3[%get3A_4, %get3A_5, %get3A_6] : memref<1x2048x1xi32, #tpu.memory_space<vmem>>, vector<1x2048x1xi32>
    %get3A_8 = vector.shape_cast %get3A_7 : vector<1x2048x1xi32> to vector<2048x1xi32>
    %get3A_9 = arith.constant 0 : index
    %get3A_10 = arith.constant 0 : index
    %get3A_11 = arith.constant 0 : index
    %get3A_12 = vector.load %arg4[%get3A_9, %get3A_10, %get3A_11] : memref<1x1x2048xi32, #tpu.memory_space<vmem>>, vector<1x1x2048xi32>
    %get3A_13 = vector.shape_cast %get3A_12 : vector<1x1x2048xi32> to vector<1x2048xi32>
    %ne3A = arith.constant 0 : i32
    %ne3A_14 = vector.broadcast %ne3A : i32 to vector<2048x1xi32>
    %ne3A_15 = arith.cmpi ne, %get3A_8, %ne3A_14 : vector<2048x1xi32>
    %ne3A_16 = arith.constant 0 : i32
    %ne3A_17 = vector.broadcast %ne3A_16 : i32 to vector<1x2048xi32>
    %ne3A_18 = arith.cmpi ne, %get3A_13, %ne3A_17 : vector<1x2048xi32>
    %convert_element_type3A = arith.extui %ne3A_15 : vector<2048x1xi1> to vector<2048x1xi32>
    %convert_element_type3A_19 = arith.sitofp %convert_element_type3A : vector<2048x1xi32> to vector<2048x1xf32>
    %reduce_sum3A = vector.shape_cast %convert_element_type3A_19 : vector<2048x1xf32> to vector<1x2048x1xf32>
    %reduce_sum3A_20 = arith.constant dense<0.000000e+00> : vector<1xf32>
    %reduce_sum3A_21 = vector.multi_reduction <add>, %reduce_sum3A, %reduce_sum3A_20 [1, 2] : vector<1x2048x1xf32> to vector<1xf32>
    %reduce_sum3A_22 = vector.shape_cast %reduce_sum3A_21 : vector<1xf32> to vector<1x1x1xf32>
    %reduce_sum3A_23 = vector.extract %reduce_sum3A_22[0, 0, 0] : f32 from vector<1x1x1xf32>
    %convert_element_type3A_24 = arith.extui %ne3A_18 : vector<1x2048xi1> to vector<1x2048xi32>
    %convert_element_type3A_25 = arith.sitofp %convert_element_type3A_24 : vector<1x2048xi32> to vector<1x2048xf32>
    %reduce_sum3A_26 = vector.shape_cast %convert_element_type3A_25 : vector<1x2048xf32> to vector<1x1x2048xf32>
    %reduce_sum3A_27 = arith.constant dense<0.000000e+00> : vector<1xf32>
    %reduce_sum3A_28 = vector.multi_reduction <add>, %reduce_sum3A_26, %reduce_sum3A_27 [1, 2] : vector<1x1x2048xf32> to vector<1xf32>
    %reduce_sum3A_29 = vector.shape_cast %reduce_sum3A_28 : vector<1xf32> to vector<1x1x1xf32>
    %reduce_sum3A_30 = vector.extract %reduce_sum3A_29[0, 0, 0] : f32 from vector<1x1x1xf32>
    %slice3A = vector.extract_strided_slice %get3A_3 {offsets = [0, 0], sizes = [2048, 1], strides = [1, 1]} : vector<2048x3xf32> to vector<2048x1xf32>
    %slice3A_31 = vector.extract_strided_slice %get3A_3 {offsets = [0, 1], sizes = [2048, 1], strides = [1, 1]} : vector<2048x3xf32> to vector<2048x1xf32>
    %slice3A_32 = vector.extract_strided_slice %get3A_3 {offsets = [0, 2], sizes = [2048, 1], strides = [1, 1]} : vector<2048x3xf32> to vector<2048x1xf32>
    %mul3A = arith.mulf %slice3A, %slice3A : vector<2048x1xf32>
    %mul3A_33 = arith.mulf %slice3A_31, %slice3A_31 : vector<2048x1xf32>
    %add3A = arith.addf %mul3A, %mul3A_33 : vector<2048x1xf32>
    %mul3A_34 = arith.mulf %slice3A_32, %slice3A_32 : vector<2048x1xf32>
    %add3A_35 = arith.addf %add3A, %mul3A_34 : vector<2048x1xf32>
    %sqrt3A = math.sqrt %add3A_35 : vector<2048x1xf32>
    %jit3A = arith.constant 0.000000e+00 : f32
    %broadcast_in_dim3A = vector.broadcast %jit3A : f32 to vector<2048x1xf32>
    %select_n3A = arith.select %ne3A_15, %sqrt3A, %broadcast_in_dim3A : vector<2048x1xi1>, vector<2048x1xf32>
    %reduce_sum3A_36 = vector.shape_cast %select_n3A : vector<2048x1xf32> to vector<1x2048x1xf32>
    %reduce_sum3A_37 = arith.constant dense<0.000000e+00> : vector<1xf32>
    %reduce_sum3A_38 = vector.multi_reduction <add>, %reduce_sum3A_36, %reduce_sum3A_37 [1, 2] : vector<1x2048x1xf32> to vector<1xf32>
    %reduce_sum3A_39 = vector.shape_cast %reduce_sum3A_38 : vector<1xf32> to vector<1x1x1xf32>
    %reduce_sum3A_40 = vector.extract %reduce_sum3A_39[0, 0, 0] : f32 from vector<1x1x1xf32>
    %convert_element_type3A_41 = arith.truncf %get3A_3 : vector<2048x3xf32> to vector<2048x3xbf16>
    %get3A_42 = arith.constant 0 : index
    %get3A_43 = arith.constant 0 : index
    %get3A_44 = arith.constant 0 : index
    %get3A_45 = vector.load %arg2[%get3A_42, %get3A_43, %get3A_44] : memref<1x3x2048xf32, #tpu.memory_space<vmem>>, vector<1x3x2048xf32>
    %get3A_46 = vector.shape_cast %get3A_45 : vector<1x3x2048xf32> to vector<3x2048xf32>
    %convert_element_type3A_47 = arith.truncf %get3A_46 : vector<3x2048xf32> to vector<3x2048xbf16>
    %slice3A_48 = vector.extract_strided_slice %convert_element_type3A_41 {offsets = [0, 0], sizes = [2048, 1], strides = [1, 1]} : vector<2048x3xbf16> to vector<2048x1xbf16>
    %convert_element_type3A_49 = arith.extf %slice3A_48 : vector<2048x1xbf16> to vector<2048x1xf32>
    %slice3A_50 = vector.extract_strided_slice %convert_element_type3A_41 {offsets = [0, 1], sizes = [2048, 1], strides = [1, 1]} : vector<2048x3xbf16> to vector<2048x1xbf16>
    %convert_element_type3A_51 = arith.extf %slice3A_50 : vector<2048x1xbf16> to vector<2048x1xf32>
    %slice3A_52 = vector.extract_strided_slice %convert_element_type3A_41 {offsets = [0, 2], sizes = [2048, 1], strides = [1, 1]} : vector<2048x3xbf16> to vector<2048x1xbf16>
    %convert_element_type3A_53 = arith.extf %slice3A_52 : vector<2048x1xbf16> to vector<2048x1xf32>
    %mul3A_54 = arith.mulf %convert_element_type3A_49, %convert_element_type3A_49 : vector<2048x1xf32>
    %mul3A_55 = arith.mulf %convert_element_type3A_51, %convert_element_type3A_51 : vector<2048x1xf32>
    %add3A_56 = arith.addf %mul3A_54, %mul3A_55 : vector<2048x1xf32>
    %mul3A_57 = arith.mulf %convert_element_type3A_53, %convert_element_type3A_53 : vector<2048x1xf32>
    %add3A_58 = arith.addf %add3A_56, %mul3A_57 : vector<2048x1xf32>
    %slice3A_59 = vector.extract_strided_slice %convert_element_type3A_47 {offsets = [0, 0], sizes = [1, 2048], strides = [1, 1]} : vector<3x2048xbf16> to vector<1x2048xbf16>
    %convert_element_type3A_60 = arith.extf %slice3A_59 : vector<1x2048xbf16> to vector<1x2048xf32>
    %slice3A_61 = vector.extract_strided_slice %convert_element_type3A_47 {offsets = [1, 0], sizes = [1, 2048], strides = [1, 1]} : vector<3x2048xbf16> to vector<1x2048xbf16>
    %convert_element_type3A_62 = arith.extf %slice3A_61 : vector<1x2048xbf16> to vector<1x2048xf32>
    %slice3A_63 = vector.extract_strided_slice %convert_element_type3A_47 {offsets = [2, 0], sizes = [1, 2048], strides = [1, 1]} : vector<3x2048xbf16> to vector<1x2048xbf16>
    %convert_element_type3A_64 = arith.extf %slice3A_63 : vector<1x2048xbf16> to vector<1x2048xf32>
    %mul3A_65 = arith.mulf %convert_element_type3A_60, %convert_element_type3A_60 : vector<1x2048xf32>
    %mul3A_66 = arith.mulf %convert_element_type3A_62, %convert_element_type3A_62 : vector<1x2048xf32>
    %add3A_67 = arith.addf %mul3A_65, %mul3A_66 : vector<1x2048xf32>
    %mul3A_68 = arith.mulf %convert_element_type3A_64, %convert_element_type3A_64 : vector<1x2048xf32>
    %add3A_69 = arith.addf %add3A_67, %mul3A_68 : vector<1x2048xf32>
    %jit3A_70 = arith.constant 0.000000e+00 : f32
    %jit3A_71 = arith.constant 1.000000e+30 : f32
    %broadcast_in_dim3A_72 = vector.broadcast %jit3A_70 : f32 to vector<1x2048xf32>
    %broadcast_in_dim3A_73 = vector.broadcast %jit3A_71 : f32 to vector<1x2048xf32>
    %select_n3A_74 = arith.select %ne3A_18, %broadcast_in_dim3A_72, %broadcast_in_dim3A_73 : vector<1x2048xi1>, vector<1x2048xf32>
    %add3A_75 = arith.addf %add3A_69, %select_n3A_74 : vector<1x2048xf32>
    %jit3A_76 = arith.constant 0.000000e+00 : f32
    %jit3A_77 = arith.constant 1.000000e+30 : f32
    %broadcast_in_dim3A_78 = vector.broadcast %jit3A_76 : f32 to vector<2048x1xf32>
    %broadcast_in_dim3A_79 = vector.broadcast %jit3A_77 : f32 to vector<2048x1xf32>
    %select_n3A_80 = arith.select %ne3A_15, %broadcast_in_dim3A_78, %broadcast_in_dim3A_79 : vector<2048x1xi1>, vector<2048x1xf32>
    %add3A_81 = arith.addf %add3A_58, %select_n3A_80 : vector<2048x1xf32>
    %convert_element_type3A_82 = arith.truncf %add3A_81 : vector<2048x1xf32> to vector<2048x1xbf16>
    %convert_element_type3A_83 = arith.extf %convert_element_type3A_82 : vector<2048x1xbf16> to vector<2048x1xf32>
    %sub3A = arith.subf %add3A_81, %convert_element_type3A_83 : vector<2048x1xf32>
    %convert_element_type3A_84 = arith.truncf %sub3A : vector<2048x1xf32> to vector<2048x1xbf16>
    %convert_element_type3A_85 = arith.truncf %add3A_75 : vector<1x2048xf32> to vector<1x2048xbf16>
    %convert_element_type3A_86 = arith.extf %convert_element_type3A_85 : vector<1x2048xbf16> to vector<1x2048xf32>
    %sub3A_87 = arith.subf %add3A_75, %convert_element_type3A_86 : vector<1x2048xf32>
    %convert_element_type3A_88 = arith.truncf %sub3A_87 : vector<1x2048xf32> to vector<1x2048xbf16>
    %broadcast_in_dim3A_89 = arith.constant 1.000000e+00 : bf16
    %broadcast_in_dim3A_90 = vector.broadcast %broadcast_in_dim3A_89 : bf16 to vector<2048x1xbf16>
    %broadcast_in_dim3A_91 = arith.constant 1.000000e+00 : bf16
    %broadcast_in_dim3A_92 = vector.broadcast %broadcast_in_dim3A_91 : bf16 to vector<1x2048xbf16>
    %mul3A_93 = arith.constant -2.000000e+00 : bf16
    %mul3A_94 = vector.broadcast %mul3A_93 : bf16 to vector<2048x3xbf16>
    %mul3A_95 = arith.mulf %convert_element_type3A_41, %mul3A_94 : vector<2048x3xbf16>
    %concatenate3A = tpu.concatenate %mul3A_95, %broadcast_in_dim3A_90, %broadcast_in_dim3A_90, %convert_element_type3A_82, %convert_element_type3A_84 in 1 : vector<2048x3xbf16>, vector<2048x1xbf16>, vector<2048x1xbf16>, vector<2048x1xbf16>, vector<2048x1xbf16> -> vector<2048x7xbf16>
    %concatenate3A_96 = tpu.concatenate %convert_element_type3A_47, %convert_element_type3A_85, %convert_element_type3A_88, %broadcast_in_dim3A_92, %broadcast_in_dim3A_92 in 0 : vector<3x2048xbf16>, vector<1x2048xbf16>, vector<1x2048xbf16>, vector<1x2048xbf16>, vector<1x2048xbf16> -> vector<7x2048xbf16>
    %broadcast_in_dim3A_97 = arith.constant 1.000000e+30 : f32
    %broadcast_in_dim3A_98 = vector.broadcast %broadcast_in_dim3A_97 : f32 to vector<1x2048xf32>
    %slice3A_99 = vector.extract_strided_slice %concatenate3A {offsets = [0, 0], sizes = [256, 7], strides = [1, 1]} : vector<2048x7xbf16> to vector<256x7xbf16>
    %dot_general3A = arith.constant dense<0.000000e+00> : vector<256x2048xf32>
    %dot_general3A_100 = tpu.matmul %slice3A_99, %concatenate3A_96, %dot_general3A {dimension_numbers = #tpu.dot_dimension_numbers<[1], [0], [0], [1], [0, 0, 1, 1], [], []>, transpose_lhs_hint = false} : vector<256x7xbf16>, vector<7x2048xbf16>, vector<256x2048xf32> -> vector<256x2048xf32>
    %reduce_min3A = arith.constant dense<0x7F800000> : vector<256xf32>
    %reduce_min3A_101 = vector.multi_reduction <minimumf>, %dot_general3A_100, %reduce_min3A [1] : vector<256x2048xf32> to vector<256xf32>
    %broadcast_in_dim3A_102 = vector.shape_cast %reduce_min3A_101 : vector<256xf32> to vector<256x1xf32>
    %reduce_min3A_103 = arith.constant dense<0x7F800000> : vector<2048xf32>
    %reduce_min3A_104 = vector.multi_reduction <minimumf>, %dot_general3A_100, %reduce_min3A_103 [0] : vector<256x2048xf32> to vector<2048xf32>
    %broadcast_in_dim3A_105 = vector.shape_cast %reduce_min3A_104 : vector<2048xf32> to vector<1x2048xf32>
    %min3A = arith.minimumf %broadcast_in_dim3A_98, %broadcast_in_dim3A_105 : vector<1x2048xf32>
    %slice3A_106 = vector.extract_strided_slice %concatenate3A {offsets = [256, 0], sizes = [256, 7], strides = [1, 1]} : vector<2048x7xbf16> to vector<256x7xbf16>
    %dot_general3A_107 = arith.constant dense<0.000000e+00> : vector<256x2048xf32>
    %dot_general3A_108 = tpu.matmul %slice3A_106, %concatenate3A_96, %dot_general3A_107 {dimension_numbers = #tpu.dot_dimension_numbers<[1], [0], [0], [1], [0, 0, 1, 1], [], []>, transpose_lhs_hint = false} : vector<256x7xbf16>, vector<7x2048xbf16>, vector<256x2048xf32> -> vector<256x2048xf32>
    %reduce_min3A_109 = arith.constant dense<0x7F800000> : vector<256xf32>
    %reduce_min3A_110 = vector.multi_reduction <minimumf>, %dot_general3A_108, %reduce_min3A_109 [1] : vector<256x2048xf32> to vector<256xf32>
    %broadcast_in_dim3A_111 = vector.shape_cast %reduce_min3A_110 : vector<256xf32> to vector<256x1xf32>
    %reduce_min3A_112 = arith.constant dense<0x7F800000> : vector<2048xf32>
    %reduce_min3A_113 = vector.multi_reduction <minimumf>, %dot_general3A_108, %reduce_min3A_112 [0] : vector<256x2048xf32> to vector<2048xf32>
    %broadcast_in_dim3A_114 = vector.shape_cast %reduce_min3A_113 : vector<2048xf32> to vector<1x2048xf32>
    %min3A_115 = arith.minimumf %min3A, %broadcast_in_dim3A_114 : vector<1x2048xf32>
    %slice3A_116 = vector.extract_strided_slice %concatenate3A {offsets = [512, 0], sizes = [256, 7], strides = [1, 1]} : vector<2048x7xbf16> to vector<256x7xbf16>
    %dot_general3A_117 = arith.constant dense<0.000000e+00> : vector<256x2048xf32>
    %dot_general3A_118 = tpu.matmul %slice3A_116, %concatenate3A_96, %dot_general3A_117 {dimension_numbers = #tpu.dot_dimension_numbers<[1], [0], [0], [1], [0, 0, 1, 1], [], []>, transpose_lhs_hint = false} : vector<256x7xbf16>, vector<7x2048xbf16>, vector<256x2048xf32> -> vector<256x2048xf32>
    %reduce_min3A_119 = arith.constant dense<0x7F800000> : vector<256xf32>
    %reduce_min3A_120 = vector.multi_reduction <minimumf>, %dot_general3A_118, %reduce_min3A_119 [1] : vector<256x2048xf32> to vector<256xf32>
    %broadcast_in_dim3A_121 = vector.shape_cast %reduce_min3A_120 : vector<256xf32> to vector<256x1xf32>
    %reduce_min3A_122 = arith.constant dense<0x7F800000> : vector<2048xf32>
    %reduce_min3A_123 = vector.multi_reduction <minimumf>, %dot_general3A_118, %reduce_min3A_122 [0] : vector<256x2048xf32> to vector<2048xf32>
    %broadcast_in_dim3A_124 = vector.shape_cast %reduce_min3A_123 : vector<2048xf32> to vector<1x2048xf32>
    %min3A_125 = arith.minimumf %min3A_115, %broadcast_in_dim3A_124 : vector<1x2048xf32>
    %slice3A_126 = vector.extract_strided_slice %concatenate3A {offsets = [768, 0], sizes = [256, 7], strides = [1, 1]} : vector<2048x7xbf16> to vector<256x7xbf16>
    %dot_general3A_127 = arith.constant dense<0.000000e+00> : vector<256x2048xf32>
    %dot_general3A_128 = tpu.matmul %slice3A_126, %concatenate3A_96, %dot_general3A_127 {dimension_numbers = #tpu.dot_dimension_numbers<[1], [0], [0], [1], [0, 0, 1, 1], [], []>, transpose_lhs_hint = false} : vector<256x7xbf16>, vector<7x2048xbf16>, vector<256x2048xf32> -> vector<256x2048xf32>
    %reduce_min3A_129 = arith.constant dense<0x7F800000> : vector<256xf32>
    %reduce_min3A_130 = vector.multi_reduction <minimumf>, %dot_general3A_128, %reduce_min3A_129 [1] : vector<256x2048xf32> to vector<256xf32>
    %broadcast_in_dim3A_131 = vector.shape_cast %reduce_min3A_130 : vector<256xf32> to vector<256x1xf32>
    %reduce_min3A_132 = arith.constant dense<0x7F800000> : vector<2048xf32>
    %reduce_min3A_133 = vector.multi_reduction <minimumf>, %dot_general3A_128, %reduce_min3A_132 [0] : vector<256x2048xf32> to vector<2048xf32>
    %broadcast_in_dim3A_134 = vector.shape_cast %reduce_min3A_133 : vector<2048xf32> to vector<1x2048xf32>
    %min3A_135 = arith.minimumf %min3A_125, %broadcast_in_dim3A_134 : vector<1x2048xf32>
    %slice3A_136 = vector.extract_strided_slice %concatenate3A {offsets = [1024, 0], sizes = [256, 7], strides = [1, 1]} : vector<2048x7xbf16> to vector<256x7xbf16>
    %dot_general3A_137 = arith.constant dense<0.000000e+00> : vector<256x2048xf32>
    %dot_general3A_138 = tpu.matmul %slice3A_136, %concatenate3A_96, %dot_general3A_137 {dimension_numbers = #tpu.dot_dimension_numbers<[1], [0], [0], [1], [0, 0, 1, 1], [], []>, transpose_lhs_hint = false} : vector<256x7xbf16>, vector<7x2048xbf16>, vector<256x2048xf32> -> vector<256x2048xf32>
    %reduce_min3A_139 = arith.constant dense<0x7F800000> : vector<256xf32>
    %reduce_min3A_140 = vector.multi_reduction <minimumf>, %dot_general3A_138, %reduce_min3A_139 [1] : vector<256x2048xf32> to vector<256xf32>
    %broadcast_in_dim3A_141 = vector.shape_cast %reduce_min3A_140 : vector<256xf32> to vector<256x1xf32>
    %reduce_min3A_142 = arith.constant dense<0x7F800000> : vector<2048xf32>
    %reduce_min3A_143 = vector.multi_reduction <minimumf>, %dot_general3A_138, %reduce_min3A_142 [0] : vector<256x2048xf32> to vector<2048xf32>
    %broadcast_in_dim3A_144 = vector.shape_cast %reduce_min3A_143 : vector<2048xf32> to vector<1x2048xf32>
    %min3A_145 = arith.minimumf %min3A_135, %broadcast_in_dim3A_144 : vector<1x2048xf32>
    %slice3A_146 = vector.extract_strided_slice %concatenate3A {offsets = [1280, 0], sizes = [256, 7], strides = [1, 1]} : vector<2048x7xbf16> to vector<256x7xbf16>
    %dot_general3A_147 = arith.constant dense<0.000000e+00> : vector<256x2048xf32>
    %dot_general3A_148 = tpu.matmul %slice3A_146, %concatenate3A_96, %dot_general3A_147 {dimension_numbers = #tpu.dot_dimension_numbers<[1], [0], [0], [1], [0, 0, 1, 1], [], []>, transpose_lhs_hint = false} : vector<256x7xbf16>, vector<7x2048xbf16>, vector<256x2048xf32> -> vector<256x2048xf32>
    %reduce_min3A_149 = arith.constant dense<0x7F800000> : vector<256xf32>
    %reduce_min3A_150 = vector.multi_reduction <minimumf>, %dot_general3A_148, %reduce_min3A_149 [1] : vector<256x2048xf32> to vector<256xf32>
    %broadcast_in_dim3A_151 = vector.shape_cast %reduce_min3A_150 : vector<256xf32> to vector<256x1xf32>
    %reduce_min3A_152 = arith.constant dense<0x7F800000> : vector<2048xf32>
    %reduce_min3A_153 = vector.multi_reduction <minimumf>, %dot_general3A_148, %reduce_min3A_152 [0] : vector<256x2048xf32> to vector<2048xf32>
    %broadcast_in_dim3A_154 = vector.shape_cast %reduce_min3A_153 : vector<2048xf32> to vector<1x2048xf32>
    %min3A_155 = arith.minimumf %min3A_145, %broadcast_in_dim3A_154 : vector<1x2048xf32>
    %slice3A_156 = vector.extract_strided_slice %concatenate3A {offsets = [1536, 0], sizes = [256, 7], strides = [1, 1]} : vector<2048x7xbf16> to vector<256x7xbf16>
    %dot_general3A_157 = arith.constant dense<0.000000e+00> : vector<256x2048xf32>
    %dot_general3A_158 = tpu.matmul %slice3A_156, %concatenate3A_96, %dot_general3A_157 {dimension_numbers = #tpu.dot_dimension_numbers<[1], [0], [0], [1], [0, 0, 1, 1], [], []>, transpose_lhs_hint = false} : vector<256x7xbf16>, vector<7x2048xbf16>, vector<256x2048xf32> -> vector<256x2048xf32>
    %reduce_min3A_159 = arith.constant dense<0x7F800000> : vector<256xf32>
    %reduce_min3A_160 = vector.multi_reduction <minimumf>, %dot_general3A_158, %reduce_min3A_159 [1] : vector<256x2048xf32> to vector<256xf32>
    %broadcast_in_dim3A_161 = vector.shape_cast %reduce_min3A_160 : vector<256xf32> to vector<256x1xf32>
    %reduce_min3A_162 = arith.constant dense<0x7F800000> : vector<2048xf32>
    %reduce_min3A_163 = vector.multi_reduction <minimumf>, %dot_general3A_158, %reduce_min3A_162 [0] : vector<256x2048xf32> to vector<2048xf32>
    %broadcast_in_dim3A_164 = vector.shape_cast %reduce_min3A_163 : vector<2048xf32> to vector<1x2048xf32>
    %min3A_165 = arith.minimumf %min3A_155, %broadcast_in_dim3A_164 : vector<1x2048xf32>
    %slice3A_166 = vector.extract_strided_slice %concatenate3A {offsets = [1792, 0], sizes = [256, 7], strides = [1, 1]} : vector<2048x7xbf16> to vector<256x7xbf16>
    %dot_general3A_167 = arith.constant dense<0.000000e+00> : vector<256x2048xf32>
    %dot_general3A_168 = tpu.matmul %slice3A_166, %concatenate3A_96, %dot_general3A_167 {dimension_numbers = #tpu.dot_dimension_numbers<[1], [0], [0], [1], [0, 0, 1, 1], [], []>, transpose_lhs_hint = false} : vector<256x7xbf16>, vector<7x2048xbf16>, vector<256x2048xf32> -> vector<256x2048xf32>
    %reduce_min3A_169 = arith.constant dense<0x7F800000> : vector<256xf32>
    %reduce_min3A_170 = vector.multi_reduction <minimumf>, %dot_general3A_168, %reduce_min3A_169 [1] : vector<256x2048xf32> to vector<256xf32>
    %broadcast_in_dim3A_171 = vector.shape_cast %reduce_min3A_170 : vector<256xf32> to vector<256x1xf32>
    %reduce_min3A_172 = arith.constant dense<0x7F800000> : vector<2048xf32>
    %reduce_min3A_173 = vector.multi_reduction <minimumf>, %dot_general3A_168, %reduce_min3A_172 [0] : vector<256x2048xf32> to vector<2048xf32>
    %broadcast_in_dim3A_174 = vector.shape_cast %reduce_min3A_173 : vector<2048xf32> to vector<1x2048xf32>
    %min3A_175 = arith.minimumf %min3A_165, %broadcast_in_dim3A_174 : vector<1x2048xf32>
    %concatenate3A_176 = tpu.concatenate %broadcast_in_dim3A_102, %broadcast_in_dim3A_111, %broadcast_in_dim3A_121, %broadcast_in_dim3A_131, %broadcast_in_dim3A_141, %broadcast_in_dim3A_151, %broadcast_in_dim3A_161, %broadcast_in_dim3A_171 in 0 : vector<256x1xf32>, vector<256x1xf32>, vector<256x1xf32>, vector<256x1xf32>, vector<256x1xf32>, vector<256x1xf32>, vector<256x1xf32>, vector<256x1xf32> -> vector<2048x1xf32>
    %max3A = arith.constant 0.000000e+00 : f32
    %max3A_177 = vector.broadcast %max3A : f32 to vector<2048x1xf32>
    %max3A_178 = arith.maximumf %concatenate3A_176, %max3A_177 : vector<2048x1xf32>
    %sqrt3A_179 = math.sqrt %max3A_178 : vector<2048x1xf32>
    %jit3A_180 = arith.constant 0.000000e+00 : f32
    %broadcast_in_dim3A_181 = vector.broadcast %jit3A_180 : f32 to vector<2048x1xf32>
    %select_n3A_182 = arith.select %ne3A_15, %sqrt3A_179, %broadcast_in_dim3A_181 : vector<2048x1xi1>, vector<2048x1xf32>
    %reduce_sum3A_183 = vector.shape_cast %select_n3A_182 : vector<2048x1xf32> to vector<1x2048x1xf32>
    %reduce_sum3A_184 = arith.constant dense<0.000000e+00> : vector<1xf32>
    %reduce_sum3A_185 = vector.multi_reduction <add>, %reduce_sum3A_183, %reduce_sum3A_184 [1, 2] : vector<1x2048x1xf32> to vector<1xf32>
    %reduce_sum3A_186 = vector.shape_cast %reduce_sum3A_185 : vector<1xf32> to vector<1x1x1xf32>
    %reduce_sum3A_187 = vector.extract %reduce_sum3A_186[0, 0, 0] : f32 from vector<1x1x1xf32>
    %max3A_188 = arith.constant 0.000000e+00 : f32
    %max3A_189 = vector.broadcast %max3A_188 : f32 to vector<1x2048xf32>
    %max3A_190 = arith.maximumf %min3A_175, %max3A_189 : vector<1x2048xf32>
    %sqrt3A_191 = math.sqrt %max3A_190 : vector<1x2048xf32>
    %jit3A_192 = arith.constant 0.000000e+00 : f32
    %broadcast_in_dim3A_193 = vector.broadcast %jit3A_192 : f32 to vector<1x2048xf32>
    %select_n3A_194 = arith.select %ne3A_18, %sqrt3A_191, %broadcast_in_dim3A_193 : vector<1x2048xi1>, vector<1x2048xf32>
    %reduce_sum3A_195 = vector.shape_cast %select_n3A_194 : vector<1x2048xf32> to vector<1x1x2048xf32>
    %reduce_sum3A_196 = arith.constant dense<0.000000e+00> : vector<1xf32>
    %reduce_sum3A_197 = vector.multi_reduction <add>, %reduce_sum3A_195, %reduce_sum3A_196 [1, 2] : vector<1x1x2048xf32> to vector<1xf32>
    %reduce_sum3A_198 = vector.shape_cast %reduce_sum3A_197 : vector<1xf32> to vector<1x1x1xf32>
    %reduce_sum3A_199 = vector.extract %reduce_sum3A_198[0, 0, 0] : f32 from vector<1x1x1xf32>
    %max3A_200 = arith.constant 1.000000e+00 : f32
    %max3A_201 = arith.maximumf %max3A_200, %reduce_sum3A_23 : f32
    %max3A_202 = arith.constant 1.000000e+00 : f32
    %max3A_203 = arith.maximumf %max3A_202, %reduce_sum3A_30 : f32
    %div3A = arith.divf %reduce_sum3A_187, %max3A_203 : f32
    %div3A_204 = arith.divf %reduce_sum3A_199, %max3A_201 : f32
    %add3A_205 = arith.addf %div3A, %div3A_204 : f32
    %mul3A_206 = arith.constant 5.000000e-01 : f32
    %mul3A_207 = arith.mulf %mul3A_206, %add3A_205 : f32
    %eq3A = arith.constant 0.000000e+00 : f32
    %eq3A_208 = arith.cmpf oeq, %reduce_sum3A_30, %eq3A : f32
    %div3A_209 = arith.divf %reduce_sum3A_40, %max3A_201 : f32
    %eq3A_210 = arith.constant 0.000000e+00 : f32
    %eq3A_211 = arith.cmpf oeq, %reduce_sum3A_23, %eq3A_210 : f32
    %jit3A_212 = arith.constant 0.000000e+00 : f32
    %select_n3A_213 = arith.select %eq3A_211, %jit3A_212, %mul3A_207 : f32
    %select_n3A_214 = arith.select %eq3A_208, %div3A_209, %select_n3A_213 : f32
    %broadcast_in_dim3A_215 = arith.constant 6.250000e-02 : f32
    %broadcast_in_dim3A_216 = vector.broadcast %broadcast_in_dim3A_215 : f32 to vector<8x128xf32>
    %mul3A_217 = vector.broadcast %select_n3A_214 : f32 to vector<8x128xf32>
    %mul3A_218 = arith.mulf %broadcast_in_dim3A_216, %mul3A_217 : vector<8x128xf32>
    %swap3A = arith.constant 0 : index
    %swap3A_219 = arith.constant 0 : index
    %swap3A_220 = arith.constant 0 : index
    %swap3A_221 = vector.load %arg5[%swap3A, %swap3A_219, %swap3A_220] : memref<1x8x128xf32, #tpu.memory_space<vmem>>, vector<1x8x128xf32>
    %swap3A_222 = vector.shape_cast %swap3A_221 : vector<1x8x128xf32> to vector<8x128xf32>
    %swap3A_223 = vector.shape_cast %mul3A_218 : vector<8x128xf32> to vector<1x8x128xf32>
    tpu.vector_store %arg5[%swap3A, %swap3A_219, %swap3A_220], %swap3A_223 {strides = array<i32>} : memref<1x8x128xf32, #tpu.memory_space<vmem>>, vector<1x8x128xf32>,
    return
  }
  func.func @transform_0(%arg0: i32) -> (i32, i32, i32) {
    %c0_i32 = arith.constant 0 : i32
    %c0_i32_0 = arith.constant 0 : i32
    %c0_i32_1 = arith.constant 0 : i32
    return %arg0, %c0_i32, %c0_i32_0 : i32, i32, i32
  }
  func.func @transform_1(%arg0: i32) -> (i32, i32, i32) {
    %c0_i32 = arith.constant 0 : i32
    %c0_i32_0 = arith.constant 0 : i32
    %c0_i32_1 = arith.constant 0 : i32
    return %arg0, %c0_i32, %c0_i32_0 : i32, i32, i32
  }
  func.func @transform_2(%arg0: i32) -> (i32, i32, i32) {
    %c0_i32 = arith.constant 0 : i32
    %c0_i32_0 = arith.constant 0 : i32
    %c0_i32_1 = arith.constant 0 : i32
    return %arg0, %c0_i32, %c0_i32_0 : i32, i32, i32
  }
  func.func @transform_3(%arg0: i32) -> (i32, i32, i32) {
    %c0_i32 = arith.constant 0 : i32
    %c0_i32_0 = arith.constant 0 : i32
    %c0_i32_1 = arith.constant 0 : i32
    return %arg0, %c0_i32, %c0_i32_0 : i32, i32, i32
  }
  func.func @transform_4(%arg0: i32) -> (i32, i32, i32) {
    %c0_i32 = arith.constant 0 : i32
    %c0_i32_0 = arith.constant 0 : i32
    %c0_i32_1 = arith.constant 0 : i32
    return %arg0, %c0_i32, %c0_i32_0 : i32, i32, i32
  }
}

</mosaic_0001>

<sc_bundles>
// kernel: kernel.4.cloned.1.call-start
scs
__scs_entry_jumppad:
0x0: {  	(pc) =	sbr.rel $0x88, $3  }
0x1: {  	(tag) =	ssettag $0x0;
	lr =	simm.s32 $0x1  }
0x2: {  	[smem:$0x3F9D] =	sst lr;
	_ =	strace $0xD0000000  }
0x3: {  	_ = 	snop  }
0x4: {  	_ = 	snop  }
0x5: {  	_ = 	snop  }
0x6: {  	_ = 	snop  }
0x7: {  	_ = 	snop  }
__scs_overlays_trampoline_lowered:
0x8: {  	[smem:$0x3FAC] =	sst s0  }
0x9: {  	[smem:$0x3FAD] =	sst s1  }
0xa: {  	[smem:$0x3FAE] =	sst s2  }
0xb: {  	[smem:$0x3FAF] =	sst s3  }
0xc: {  	[smem:$0x3FB0] =	sst s4  }
0xd: {  	[smem:$0x3FB1] =	sst s5  }
0xe: {  	[smem:$0x3FB2] =	sst s6  }
0xf: {  	[smem:$0x3FB3] =	sst s7  }
0x10: {  	[smem:$0x3FB4] =	sst s8  }
0x11: {  	[smem:$0x3FB5] =	sst s9;
	s0 =	simm.s32 @!p0 $0x0  }
0x12: {  	s1 =	sld [smem:$0x3F9B];
	s0 =	simm.s32 @p0 $0x1  }
0x13: {  	[smem:$0x3FB6] =	sst s0;
	s0 =	simm.s32 @!p1 $0x0  }
0x14: {  	s2 =	sld [smem:$0x3F9A];
	s0 =	simm.s32 @p1 $0x1  }
0x15: {  	[smem:$0x3FB7] =	sst s0;
	s0 =	simm.s32 @!p2 $0x0  }
0x16: {  	s3 =	sld [smem:$0x3FDB];
	s0 =	simm.s32 @p2 $0x1  }
0x17: {  	s4 =	simm.s32 $0x1BF5;
	[smem:$0x3FB9] =	sst s0  }
0x18: {  	s0 =	sld [smem:$0x3F9C];
	_ =	swait.ge [sflag:s4], $0x0  }
0x19: {  	s7 =	sld [smem:$0x3F9D]  }
0x1a: {  	s8 =	sadd.s32 $0xFFFFE003, lr  }
0x1b: {  	s9 =	sadd.s32 $0xFFFFFEF7, lr;
	s5 =	simm.s32 $0xFFFFFFFF;
	p2 =	slt.u32 s8, $0xFFFFF086  }
0x1c: {  	p1 =	slt.u32 s9, $0xF7A;
	s5 =	simm.s32 @!p2 $0x0  }
0x1d: {  	s5 =	simm.s32 @p1 $0x1;
	p0 =	seq.s32 s7, s2  }
0x1e: {  	s7 =	smul.u32 @!p0 $0xF7A, s2;
	p2 =	seq.s32 @!p0 s5, $0x0  }
0x1f: {  	s9 =	smul.u32 $0xF7A, s1;
	s8 =	simm.s32 @!p0 $0x1BF5;
	p2 =	por !p2, p0  }
0x20: {  	[sflag:s8] =	ssyncset.s32 @!p0 $0xFFFFF086;
	s6 =	sadd.s32 @!p0 s3, s7;
	s7 =	simm.s32 @!p0 $0x108  }
0x21: {  	s3 =	sadd.s32 s3, s9;
	s6 =	sadd.s32 @!p0 $0x88, s6;
	s7 =	simm.s32 @p2 $0x1082  }
0x22: {  	[simem:s7], [sflag:s8] =	dma.local @!p0 [hbm:s6], $0xF7A  }
0x23: {  	s9 =	sor.u32 $0xD0000000, s2;
	s6 =	simm.s32 $0x108;
	_ =	swait.ge @!p0 [sflag:s8], $0x0  }
0x24: {  	s3 =	sadd.s32 $0x88, s3;
	s6 =	simm.s32 @!p1 $0x1082;
	[sflag:s4] =	ssyncset.s32 $0xFFFFF086  }
0x25: {  	[simem:s6], [sflag:s4] =	dma.local [hbm:s3], $0xF7A  }
0x26: {  	[smem:$0x3F9D] =	sst s1;
	(tag) =	ssettag s2;
	_ =	strace s9  }
0x27: {  	s1 =	sld [smem:$0x3FAD]  }
0x28: {  	s2 =	sld [smem:$0x3FAE]  }
0x29: {  	s4 =	sld [smem:$0x3FB0]  }
0x2a: {  	p0 =	seq.s32 s5, $0x0;
	s5 =	sld [smem:$0x3FB1]  }
0x2b: {  	s6 =	sld [smem:$0x3FB2]  }
0x2c: {  	s7 =	sld [smem:$0x3FB3]  }
0x2d: {  	s3 =	simm.s32 $0x108;
	s8 =	sld [smem:$0x3FB4]  }
0x2e: {  	s3 =	simm.s32 @!p0 $0x1082;
	s9 =	sld [smem:$0x3FB5]  }
0x2f: {  	lr =	sadd.s32 s0, s3;
	s0 =	sld [smem:$0x3FAC]  }
0x30: {  	s3 =	sld [smem:$0x3FAF]  }
0x31: {  	[smem:$0x3FB8] =	sst s10  }
0x32: {  	s10 =	sld [smem:$0x3FB6];
	_ =	sdelay $0x3  }
0x33: {  	p0 =	seq.s32 s10, $0x1;
	s10 =	sld [smem:$0x3FB8];
	_ =	sdelay $0x3  }
0x34: {  	[smem:$0x3FB8] =	sst s10  }
0x35: {  	s10 =	sld [smem:$0x3FB7];
	_ =	sdelay $0x3  }
0x36: {  	p1 =	seq.s32 s10, $0x1;
	s10 =	sld [smem:$0x3FB8];
	_ =	sdelay $0x3  }
0x37: {  	[smem:$0x3FB8] =	sst s10  }
0x38: {  	s10 =	sld [smem:$0x3FB9]  }
0x39: {  	_ = 	snop;
	(pc) =	sbr.ind lr, $3  }
0x3a: {  	_ = 	snop  }
0x3b: {  	_ = 	snop  }
0x3c: {  	p2 =	seq.s32 s10, $0x1;
	s10 =	sld [smem:$0x3FB8]  }
0x3d: {  	_ =	shalt  }
0x3e: {  	_ =	shalt  }
0x3f: {  	_ =	shalt  }
0x40: {  	_ =	shalt  }
0x41: {  	_ =	shalt  }
0x42: {  	_ =	shalt  }
0x43: {  	_ =	shalt  }
0x44: {  	_ =	shalt  }
0x45: {  	_ =	shalt  }
0x46: {  	_ =	shalt  }
0x47: {  	_ =	shalt  }
0x48: {  	_ =	shalt  }
0x49: {  	_ =	shalt  }
0x4a: {  	_ =	shalt  }
0x4b: {  	_ =	shalt  }
0x4c: {  	_ =	shalt  }
0x4d: {  	_ =	shalt  }
0x4e: {  	_ =	shalt  }
0x4f: {  	_ =	shalt  }
0x50: {  	_ =	shalt  }
0x51: {  	_ =	shalt  }
0x52: {  	_ =	shalt  }
0x53: {  	_ =	shalt  }
0x54: {  	_ =	shalt  }
0x55: {  	_ =	shalt  }
0x56: {  	_ =	shalt  }
0x57: {  	_ =	shalt  }
0x58: {  	_ =	shalt  }
0x59: {  	_ =	shalt  }
0x5a: {  	_ =	shalt  }
0x5b: {  	_ =	shalt  }
0x5c: {  	_ =	shalt  }
0x5d: {  	_ =	shalt  }
0x5e: {  	_ =	shalt  }
0x5f: {  	_ =	shalt  }
0x60: {  	_ =	shalt  }
0x61: {  	_ =	shalt  }
0x62: {  	_ =	shalt  }
0x63: {  	_ =	shalt  }
0x64: {  	_ =	shalt  }
0x65: {  	_ =	shalt  }
0x66: {  	_ =	shalt  }
0x67: {  	_ =	shalt  }
0x68: {  	_ =	shalt  }
0x69: {  	_ =	shalt  }
0x6a: {  	_ =	shalt  }
0x6b: {  	_ =	shalt  }
0x6c: {  	_ =	shalt  }
0x6d: {  	_ =	shalt  }
0x6e: {  	_ =	shalt  }
0x6f: {  	_ =	shalt  }
0x70: {  	_ =	shalt  }
0x71: {  	_ =	shalt  }
0x72: {  	_ =	shalt  }
0x73: {  	_ =	shalt  }
0x74: {  	_ =	shalt  }
0x75: {  	_ =	shalt  }
0x76: {  	_ =	shalt  }
0x77: {  	_ =	shalt  }
0x78: {  	_ =	shalt  }
0x79: {  	_ =	shalt  }
0x7a: {  	_ =	shalt  }
0x7b: {  	_ =	shalt  }
0x7c: {  	_ =	shalt  }
0x7d: {  	_ =	shalt  }
0x7e: {  	_ =	shalt  }
0x7f: {  	_ =	shalt  }
0x80: {  	_ =	shalt  }
0x81: {  	_ =	shalt  }
0x82: {  	_ =	shalt  }
0x83: {  	_ =	shalt  }
0x84: {  	_ =	shalt  }
0x85: {  	_ =	shalt  }
0x86: {  	_ =	shalt  }
0x87: {  	_ =	shalt  }
.Lfunc_end0:
.L_simem_size_0:
called_computation_lowered:
.L_overlay_start_0:
0x88: {  	s2 =	sld [smem:$0x3FD9]  }
0x89: {  	s3 =	sld [smem:$0x3FFE];
	_ =	sdelay $0x1  }
0x8a: {  	s1 =	srdreg.scid  }
0x8b: {  	s0 =	sand.u32 $0x1, s1  }
0x8c: {  	s17 =	sshll.u32 s0, $0xA;
	s2 =	sadd.s32 s3, s2  }
0x8d: {  	s2 =	sadd.s32 s2, s17  }
0x8e: {  	[smem:$0x3FC4] =	sst s2  }
0x8f: {  	_ = 	snop  }
0x90: {  	s2 =	sld [smem:$0x3FC6];
	(tm) =	ssettm $0x1  }
0x91: {  	s18 =	sld [smem:$0x3FFB];
	_ =	sdelay $0x3  }
0x92: {  	_ =	strace s18  }
0x93: {  	s3 =	sld [smem:$0x3FFC];
	_ =	sdelay $0x3  }
0x94: {  	_ =	strace s3  }
0x95: {  	s3 =	sld [smem:$0x3FFD];
	_ =	sdelay $0x3  }
0x96: {  	_ =	strace s3  }
0x97: {  	_ =	strace $0x8FFFFFFF  }
0x98: {  	s19 =	sld [smem:$0x3FDB];
	_ =	sdelay $0x1  }
0x99: {  	s4 =	simm.s32 $_scs_section_size  }
0x9a: {  	s5 =	simm.s32 $_size__tile_overlayer_lowered;
	s6 =	simm.s32 $_tile_overlayer_lowered  }
0x9b: {  	s22 =	simm.s32 $0x1BFF;
	s21 =	sshll.u32 s6, $0x1;
	s3 =	sadd.s32 s4, s19  }
0x9c: {  	s7 =	simm.s32 $0x0;
	s20 =	sshll.u32 s5, $0x1;
	s5 =	sadd.s32 s21, s3  }
0x9d: {  	[timem:s7], [sflag:s22] =	dma.local [hbm:s5], s20  }
0x9e: {  	_ =	swait.ge [sflag:s22], s20  }
0x9f: {  	s4 =	ssub.s32 $0x0, s20;
	[sflag:s22] =	ssyncset.done $0x0  }
0xa0: {  	[sflag:s22] =	ssyncadd.s32 s4;
	_ =	sdelay $0x1  }
0xa1: {  	s23 =	simm.s32 $0x1B8B  }
0xa2: {  	_ =	swait.ge [sflag:s23], $0x1  }
0xa3: {  	[sflag:s23] =	ssyncset.done $0x0  }
0xa4: {  	s25 =	simm.s32 $0x1B8E;
	s24 =	sld [smem:$0x3FFE];
	[sflag:s23] =	ssyncadd.s32 $0xFFFFFFFF  }
0xa5: {  	s26 =	simm.s32 $execute0_lowered;
	[smem:$0x3FD2] =	sst s25  }
0xa6: {  	s5 =	sshll.u32 s26, $0x1;
	_ =	strace $0x80000046;
	[dreg:$0x1] =	wrdreg $0xFFFFFFFF  }
0xa7: {  	s28 =	simm.s32 $_size_execute0_lowered;
	s3 =	sadd.s32 s3, s5;
	[dreg:$0x0] =	wrdreg $0x0  }
0xa8: {  	s5 =	sshll.u32 s28, $0x1;
	[dreg:$0x2] =	wrdreg s3  }
0xa9: {  	[dreg:$0x3] =	wrdreg s5  }
0xaa: {  	[dreg:$0x4] =	wrdreg $0xC0  }
0xab: {  	_ =	task [dreg:s7], $0x5FFFF  }
0xac: {  	[dreg:$0x1] =	wrdreg $0xFFFFFFFF  }
0xad: {  	[dreg:$0x0] =	wrdreg $0x60  }
0xae: {  	[dreg:$0x2] =	wrdreg s24  }
0xaf: {  	[dreg:$0x3] =	wrdreg s2  }
0xb0: {  	[dreg:$0x4] =	wrdreg $0x9  }
0xb1: {  	_ =	task.clear_ibuf [dreg:s7], $0x5FFFF;
	_ =	strace $0x90000046  }
0xb2: {  	s29 =	simm.s32 $0x9;
	_ =	strace $0x80000048  }
0xb3: {  	_ =	swait.ge [sflag:s29], $0x1  }
0xb4: {  	[sflag:s29] =	ssyncadd.s32 $0xFFFFFFFF  }
0xb5: {  	_ =	strace $0x90000048  }
0xb6: {  	_ =	sfence  }
0xb7: {  	s30 =	sld [smem:$0x0];
	_ =	sdelay $0x2  }
0xb8: {  	s31 =	sshll.u32 s1, $0xD;
	s1 =	sshrl.u32 s1, $0x2  }
0xb9: {  	s3 =	sand.u32 $0x4000, s31;
	s1 =	sadd.s32 s1, s30  }
0xba: {  	s0 =	sor.u32 s3, s0;
	s1 =	sshll.u32 s1, $0x11  }
0xbb: {  	s0 =	sor.u32 s1, s0  }
0xbc: {  	s0 =	sadd.s32 $0x8F2B, s0  }
0xbd: {  	[sflag:s0] =	ssyncadd.remote.s32 $0x1  }
0xbe: {  	_ =	sfence.sel $0xFFFF  }
0xbf: {  	[dreg:$0x0] =	wrdreg $0xFFFFFFFF;
	(pc) =	sbr.abs _section_cstart, $3  }
0xc0: {  	[dreg:$0x1] =	wrdreg $0xFFFFFFFF  }
0xc1: {  	_ =	task.clear_ibuf [dreg:s7], $0x2FFFF;
	_ =	strace $0x9FFFFFFF  }
0xc2: {  	(tm) =	ssettm $0x7FFFFFFF  }
0xc3: {  	_ =	shalt  }
tec
execute0_lowered:
.L_overlay_start_1:
0x0: {  	(tag) =	ssettag $0x1  }
0x1: {  	s1 =	stileid.u32  }
0x2: {  	p0 =	sgt.u32 s1, $0x7  }
.Ltmp0:
0x3: {  	_ = 	snop;
	(pc) =	sbr.rel @p0 .LBB2_5-.Ltmp0, $4  }
0x4: {  	s5 =	rddreg [dreg:$0x0]  }
0x5: {  	s3 =	rddreg [dreg:$0x1];
	s2 =	simm.s32 $0x0  }
0x6: {  	[smem:$0x7FF] =	sst s2  }
0x7: {  	s0 =	rddreg [dreg:$0x2];
	_ =	strace $0x80000047  }
0x8: {  	s4 =	srdreg.scid;
	s6 =	sshll.u32 s1, $0x1  }
0x9: {  	s7 =	sshrl.u32 s1, $0x2;
	s10 =	simm.s32 $0x2000;
	s4 =	sand.u32 $0x1, s4  }
0xa: {  	s11 =	simm.s32 $0x2800;
	s12 =	simm.s32 $0x2;
	s6 =	sor.u32 s4, s6  }
0xb: {  	s13 =	simm.s32 $0x0;
	s9 =	sshll.u32 s7, $0xA;
	s8 =	sshll.u32 s6, $0x7  }
0xc: {  	s7 =	sshll.u32 s7, $0xE;
	s29 =	ssub.s32 $0x2, s4;
	s8 =	sand.u32 $0x380, s8  }
0xd: {  	s31 =	sshrl.u32 s29, $0x1;
	s6 =	sshll.u32 s6, $0xA;
	s9 =	sor.u32 s9, s8  }
0xe: {  	s7 =	sor.u32 s7, s8;
	s8 =	simm.s32 $0x80;
	s28 =	sshrl.u32 s9, $0x3  }
0xf: {  	s7 =	sshrl.u32 s7, $0x3;
	s9 =	simm.s32 $0x400;
	s30 =	sadd.s32 s28, s5  }
0x10: {  	s3 =	sadd.s32 s3, s7;
	s7 =	ssub.s32 s29, s31;
	s5 =	sadd.s32 s5, s6  }
0x11: {  	v0 =	vimm.f32 $0.0e+00;
	s4 =	sadd.s32 $0x4000, s30;
	s6 =	smax.u32 s7, $0x1;
	s7 =	simm.s32 $0x1  }
.LBB2_2:
0x12: {  	s14 =	simm.s32 $0x0  }
0x13: {  	[tilespmem:s14], [sflag:$0x1] =	stream.linear.gather [hbm4b:s5+s14], $0x2000, $0x38;
	[tilespmem:$0x2880] =	vst v63  }
0x14: {  	_ =	swait.ge [sflag:s7], $0x2000  }
0x15: {  	[sflag:s7] =	ssyncset.done $0x0  }
0x16: {  	[sflag:s7] =	ssyncadd.s32 $0xFFFFE000  }
0x17: {  	[tilespmem:s10], [sflag:$0x1] =	stream.strided.gather [hbm4b:s3+s8], $0x800, s9, s8, $0x38;
	[tilespmem:$0x2880] =	vst v63  }
0x18: {  	_ =	swait.ge [sflag:s7], $0x800  }
0x19: {  	s15 =	sand.u32 $0x70, s14;
	s14 =	sand.u32 $0x1E00, s14;
	[sflag:s7] =	ssyncset.done $0x0  }
0x1a: {  	s14 =	sor.u32 s15, s14;
	[sflag:s7] =	ssyncadd.s32 $0xFFFFF800  }
0x1b: {  	v1 =	vld [tilespmem:s14+$0x0]  }
0x1c: {  	v2 =	vld [tilespmem:s14+$0x80];
	_ =	sdelay $0x1  }
0x1d: {  	v3 =	vld [tilespmem:s14+$0x100];
	_ =	sdelay $0x1  }
0x1e: {  	s22 =	simm.s32 $0x10;
	s23 =	simm.s32 $0x40  }
0x1f: {  	s15 =	sand.u32 $0x1E00, s23;
	s14 =	sand.u32 $0x70, s22;
	v1 =	vmul.f32 v1, v1;
	v2 =	vmul.f32 v2, v2  }
0x20: {  	s14 =	sor.u32 s14, s15  }
0x21: {  	v4 =	vld [tilespmem:s14+$0x80];
	v3 =	vmul.f32 v3, v3;
	v1 =	vadd.f32 v2, v1  }
0x22: {  	v2 =	vld [tilespmem:s14+$0x0]  }
0x23: {  	v1 =	vadd.f32 v3, v1  }
0x24: {  	v3 =	vld [tilespmem:s14+$0x100]  }
0x25: {  	v5 =	vmax.f32 v1, $1.000000020e-35  }
0x26: {  	s24 =	simm.s32 $0x20;
	s14 =	simm.s32 $0x80;
	v1 =	vshra.s32 v5, $0x1;
	v6 =	vmul.f32 $5.000000000e-01, v5  }
0x27: {  	s15 =	sand.u32 $0x70, s24;
	s16 =	sand.u32 $0x1E00, s14;
	v2 =	vmul.f32 v2, v2;
	v7 =	vsub.s32 $0x5F3759DF, v1;
	v1 =	vmul.f32 v4, v4  }
0x28: {  	s15 =	sor.u32 s15, s16;
	v4 =	vmul.f32 v7, v6  }
0x29: {  	v8 =	vld [tilespmem:s15+$0x80];
	v3 =	vmul.f32 v3, v3;
	v1 =	vadd.f32 v1, v2  }
0x2a: {  	v2 =	vmul.f32 v7, v4;
	v4 =	vld [tilespmem:s15+$0x0]  }
0x2b: {  	v1 =	vadd.f32 v3, v1  }
0x2c: {  	v3 =	vld [tilespmem:s15+$0x100];
	v2 =	vsub.f32 $1.500000000e+00, v2  }
0x2d: {  	v1 =	vmax.f32 v1, $1.000000020e-35  }
0x2e: {  	v2 =	vmul.f32 v7, v2;
	v7 =	vshra.s32 v1, $0x1;
	v9 =	vmul.f32 $5.000000000e-01, v1  }
0x2f: {  	s25 =	simm.s32 $0x30;
	s15 =	simm.s32 $0xC0;
	v8 =	vmul.f32 v8, v8;
	v4 =	vmul.f32 v4, v4;
	v7 =	vsub.s32 $0x5F3759DF, v7  }
0x30: {  	s16 =	sand.u32 $0x70, s25;
	s17 =	sand.u32 $0x1E00, s15;
	v10 =	vmul.f32 v2, v6;
	v11 =	vmul.f32 v7, v9  }
0x31: {  	s17 =	sor.u32 s16, s17;
	v3 =	vmul.f32 v3, v3;
	v4 =	vadd.f32 v8, v4  }
0x32: {  	v12 =	vld [tilespmem:s17+$0x0];
	v10 =	vmul.f32 v10, v2;
	v8 =	vmul.f32 v7, v11  }
0x33: {  	v11 =	vld [tilespmem:s17+$0x80];
	v3 =	vadd.f32 v3, v4  }
0x34: {  	v10 =	vsub.f32 $1.500000000e+00, v10;
	v4 =	vsub.f32 $1.500000000e+00, v8  }
0x35: {  	s18 =	simm.s32 $0x40;
	s16 =	simm.s32 $0x100;
	v8 =	vld [tilespmem:s17+$0x100]  }
0x36: {  	s18 =	sand.u32 $0x70, s18;
	s19 =	sand.u32 $0x1E00, s16;
	v10 =	vmul.f32 v10, v2;
	v2 =	vmax.f32 v3, $1.000000020e-35;
	v3 =	vmul.f32 v7, v4  }
0x37: {  	s26 =	sor.u32 s18, s19;
	v7 =	vmul.f32 v12, v12;
	v12 =	vshra.s32 v2, $0x1;
	v4 =	vmul.f32 $5.000000000e-01, v2  }
0x38: {  	v13 =	vld [tilespmem:s26+$0x0];
	v11 =	vmul.f32 v11, v11;
	v6 =	vmul.f32 v10, v6;
	v12 =	vsub.s32 $0x5F3759DF, v12  }
0x39: {  	v15 =	vld [tilespmem:s26+$0x80];
	v14 =	vmul.f32 v3, v9;
	v16 =	vmul.f32 v12, v4  }
0x3a: {  	v8 =	vmul.f32 v8, v8;
	v7 =	vadd.f32 v11, v7;
	v6 =	vmul.f32 v6, v10  }
0x3b: {  	v14 =	vmul.f32 v14, v3;
	v11 =	vmul.f32 v12, v16  }
0x3c: {  	s28 =	simm.s32 $0x0;
	v8 =	vadd.f32 v8, v7;
	v6 =	vsub.f32 $1.500000000e+00, v6  }
0x3d: {  	v13 =	vmul.f32 v13, v13;
	v16 =	vld [tilespmem:s28+$0x2000];
	v14 =	vsub.f32 $1.500000000e+00, v14;
	v11 =	vsub.f32 $1.500000000e+00, v11  }
0x3e: {  	s29 =	simm.s32 $0x50;
	s18 =	simm.s32 $0x140;
	v18 =	vmul.f32 v15, v15;
	v6 =	vmul.f32 v6, v10;
	v10 =	vld [tilespmem:s26+$0x100]  }
0x3f: {  	s30 =	sand.u32 $0x1E00, s18;
	s17 =	sand.u32 $0x70, s29;
	v7 =	vmul.f32 v14, v3;
	v3 =	vmax.f32 v8, $1.000000020e-35;
	v8 =	vmul.f32 v12, v11  }
0x40: {  	s19 =	sor.u32 s17, s30;
	v11 =	vshra.s32 v3, $0x1;
	v6 =	vmul.f32 v6, v5;
	v5 =	vmul.f32 $5.000000000e-01, v3  }
0x41: {  	v19 =	vadd.f32 v18, v13;
	v14 =	vld [tilespmem:s19+$0x0];
	v9 =	vmul.f32 v7, v9;
	v11 =	vsub.s32 $0x5F3759DF, v11  }
0x42: {  	s31 =	simm.s32 $0x10;
	vm0 =	veq.s32 v16, $0x0;
	v16 =	vld [tilespmem:s19+$0x80];
	v12 =	vmul.f32 v8, v4;
	v20 =	vmul.f32 v11, v5  }
0x43: {  	v6 =	vnsel vm0, $0x0, v6;
	v9 =	vmul.f32 v9, v7;
	v17 =	vmul.f32 v10, v10;
	v10 =	vld [tilespmem:s31+$0x2000]  }
0x44: {  	v6 =	vadd.f32 v6, v0;
	v15 =	vmul.f32 v12, v8;
	v12 =	vsel vm0, $0x3F800000, v0  }
0x45: {  	s20 =	simm.s32 $0x60;
	s17 =	simm.s32 $0x140;
	v18 =	vmul.f32 v11, v20;
	v13 =	vsub.f32 $1.500000000e+00, v9;
	v9 =	vimm.f32 $0.0e+00  }
.LBB2_3:
0x46: {  	p0 =	sne.s32 s20, $0x7F0;
	v20 =	vmul.f32 v14, v14;
	v14 =	vsub.f32 $1.500000000e+00, v15;
	v9 =	vadd.f32 v12, v9  }
0x47: {  	s18 =	sadd.s32 $0x40, s18;
	v12 =	vadd.f32 v17, v19;
	v15 =	vsub.f32 $1.500000000e+00, v18;
	v13 =	vmul.f32 v13, v7  }
0x48: {  	s21 =	sand.u32 $0x70, s20;
	s22 =	sand.u32 $0x1E00, s18;
	vm0 =	veq.s32 v10, $0x0;
	v17 =	vld [tilespmem:s19+$0x100];
	v18 =	vmul.f32 v16, v16;
	v7 =	vmul.f32 v14, v8  }
0x49: {  	s19 =	sor.u32 s21, s22;
	v8 =	vmul.f32 v11, v15;
	v13 =	vmul.f32 v13, v1;
	v1 =	vmovc v2;
	v2 =	vmovc v3;
	v3 =	vmax.f32 v12, $1.000000020e-35  }
.Ltmp1:
0x4a: {  	s21 =	sshra.s32 s14, $0x2;
	s14 =	smov.u32 s15;
	v14 =	vld [tilespmem:s19+$0x0];
	v10 =	vshra.s32 v3, $0x1;
	v12 =	vmul.f32 v7, v4;
	v4 =	vmovc v5;
	v5 =	vmul.f32 $5.000000000e-01, v3;
	(pc) =	sbr.rel @p0 .LBB2_3-.Ltmp1, $4  }
0x4b: {  	s15 =	smov.u32 s16;
	s16 =	smov.u32 s17;
	s17 =	smov.u32 s18;
	v11 =	vsub.s32 $0x5F3759DF, v10;
	v15 =	vmul.f32 v8, v4;
	v10 =	vld [tilespmem:s21+$0x2000];
	v13 =	vnsel vm0, $0x0, v13  }
0x4c: {  	v16 =	vld [tilespmem:s19+$0x80];
	v21 =	vmul.f32 v11, v5;
	v22 =	vmul.f32 v12, v7;
	v6 =	vadd.f32 v13, v6  }
0x4d: {  	v12 =	vsel vm0, $0x3F800000, v0;
	v17 =	vmul.f32 v17, v17;
	v15 =	vmul.f32 v15, v8  }
0x4e: {  	s20 =	sadd.s32 $0x10, s20;
	v19 =	vadd.f32 v18, v20;
	v18 =	vmul.f32 v11, v21;
	v13 =	vsub.f32 $1.500000000e+00, v22  }
0x4f: {  	v20 =	vld [tilespmem:s19+$0x100];
	_ =	sdelay $0x2  }
0x50: {  	v14 =	vmul.f32 v14, v14;
	v16 =	vmul.f32 v16, v16;
	_ =	sdelay $0x1  }
0x51: {  	v17 =	vadd.f32 v17, v19;
	v14 =	vadd.f32 v16, v14;
	v33 =	vmul.f32 v20, v20;
	_ =	sdelay $0x1  }
0x52: {  	v34 =	vmax.f32 v17, $1.000000020e-35;
	v14 =	vadd.f32 v33, v14  }
0x53: {  	v17 =	vshra.s32 v34, $0x1;
	v35 =	vmul.f32 $5.000000000e-01, v34  }
0x54: {  	v17 =	vsub.s32 $0x5F3759DF, v17;
	v14 =	vmax.f32 v14, $1.000000020e-35  }
0x55: {  	v36 =	vmul.f32 v17, v35;
	v21 =	vshra.s32 v14, $0x1;
	v22 =	vmul.f32 $5.000000000e-01, v14  }
0x56: {  	v18 =	vsub.f32 $1.500000000e+00, v18;
	v21 =	vsub.s32 $0x5F3759DF, v21  }
0x57: {  	v20 =	vmul.f32 v17, v36;
	v23 =	vmul.f32 v21, v22  }
0x58: {  	v11 =	vmul.f32 v11, v18  }
0x59: {  	v37 =	vsub.f32 $1.500000000e+00, v20;
	v38 =	vmul.f32 v21, v23  }
0x5a: {  	v39 =	vmul.f32 v11, v5  }
0x5b: {  	v17 =	vmul.f32 v17, v37;
	v40 =	vsub.f32 $1.500000000e+00, v38  }
0x5c: {  	v15 =	vsub.f32 $1.500000000e+00, v15;
	v41 =	vmul.f32 v39, v11  }
0x5d: {  	v42 =	vmul.f32 v17, v35;
	v18 =	vmul.f32 v21, v40  }
0x5e: {  	v8 =	vmul.f32 v15, v8;
	v43 =	vsub.f32 $1.500000000e+00, v41  }
0x5f: {  	v44 =	vmul.f32 v42, v17;
	v45 =	vmul.f32 v18, v22  }
0x60: {  	v4 =	vmul.f32 v8, v4;
	v11 =	vmul.f32 v43, v11  }
0x61: {  	v46 =	vsub.f32 $1.500000000e+00, v44;
	v47 =	vmul.f32 v45, v18  }
0x62: {  	s14 =	sshra.s32 s14, $0x2;
	v9 =	vadd.f32 v12, v9;
	v4 =	vmul.f32 v4, v8;
	v48 =	vmul.f32 v11, v5  }
0x63: {  	v7 =	vmul.f32 v13, v7;
	v50 =	vld [tilespmem:s14+$0x2000];
	v49 =	vmul.f32 v46, v17;
	v15 =	vsub.f32 $1.500000000e+00, v47  }
0x64: {  	vm0 =	veq.s32 v10, $0x0;
	v4 =	vsub.f32 $1.500000000e+00, v4;
	v5 =	vmul.f32 v48, v11  }
0x65: {  	v55 =	vsel vm0, $0x3F800000, v0;
	v51 =	vmul.f32 v49, v35;
	v15 =	vmul.f32 v15, v18  }
0x66: {  	s28 =	sshra.s32 s15, $0x2;
	v1 =	vmul.f32 v7, v1;
	v9 =	vadd.f32 v55, v9;
	v4 =	vmul.f32 v4, v8  }
0x67: {  	v52 =	vld [tilespmem:s28+$0x2000];
	v5 =	vsub.f32 $1.500000000e+00, v5;
	v53 =	vmul.f32 v51, v49;
	v54 =	vmul.f32 v15, v22  }
0x68: {  	s29 =	sshra.s32 s16, $0x2;
	v1 =	vnsel vm0, $0x0, v1;
	vm12 =	veq.s32 v50, $0x0;
	v2 =	vmul.f32 v4, v2  }
0x69: {  	v57 =	vld [tilespmem:s29+$0x2000];
	v56 =	vmul.f32 v5, v11;
	v8 =	vsub.f32 $1.500000000e+00, v53;
	v10 =	vmul.f32 v54, v15  }
0x6a: {  	s30 =	sshra.s32 s17, $0x2;
	v1 =	vadd.f32 v1, v6;
	v58 =	vsel vm12, $0x3F800000, v0;
	v2 =	vnsel vm12, $0x0, v2  }
0x6b: {  	v60 =	vld [tilespmem:s30+$0x2000];
	v3 =	vmul.f32 v56, v3;
	v59 =	vmul.f32 v8, v49;
	v61 =	vsub.f32 $1.500000000e+00, v10  }
0x6c: {  	vm13 =	veq.s32 v52, $0x0;
	v1 =	vadd.f32 v2, v1;
	v2 =	vadd.f32 v58, v9  }
0x6d: {  	v3 =	vnsel vm13, $0x0, v3;
	v4 =	vmul.f32 v59, v34;
	v62 =	vmul.f32 v61, v15  }
0x6e: {  	vm14 =	veq.s32 v57, $0x0;
	v1 =	vadd.f32 v3, v1;
	v3 =	vsel vm13, $0x3F800000, v0  }
0x6f: {  	v2 =	vadd.f32 v3, v2;
	v3 =	vnsel vm14, $0x0, v4;
	v63 =	vmul.f32 v62, v14  }
0x70: {  	vm15 =	veq.s32 v60, $0x0;
	v1 =	vadd.f32 v3, v1;
	v3 =	vsel vm14, $0x3F800000, v0  }
0x71: {  	v2 =	vadd.f32 v3, v2;
	v3 =	vnsel vm15, $0x0, v63  }
0x72: {  	v1 =	vadd.f32 v3, v1;
	v3 =	vsel vm15, $0x3F800000, v0  }
0x73: {  	v2 =	vadd.f32 v3, v2  }
0x74: {  	(xrf2) =	vadd.scan.msk.f32 $0xffff, v1  }
0x75: {  	(xrf2) =	vadd.scan.msk.f32 $0xffff, v2;
	_ =	sdelay $0x8  }
0x76: {  	v1, _, _ =	vpop (xrf2)  }
0x77: {  	v2, _, _ =	vpop (xrf2)  }
0x78: {  	(v2sf) =	vpush v2, $0xF;
	_ =	sdelay $0xe  }
0x79: {  	s31 =	spop (v2sf)  }
0x7a: {  	s14 =	smax.f32 s31, $1.000000000e+00  }
0x7b: {  	v2 =	vmov s14  }
0x7c: {  	(erf) = vrcp.f32 v2;
	_ =	sdelay $0x5  }
0x7d: {  	v1 =	vadd.f32 $0.0e+00, v1;
	_ =	sdelay $0x1  }
0x7e: {  	v1 =	vbroadcast v1, $0xF  }
0x7f: {  	v2 =	vpop (erf)  }
0x80: {  	s13 =	sadd.s32 $0x1, s13;
	v1 =	vmul.f32 v2, v1  }
0x81: {  	p0 =	sne.s32 s13, s6  }
.Ltmp2:
0x82: {  	[tilespmem:$0x2800] =	vst v1;
	(pc) =	sbr.rel @p0 .LBB2_2-.Ltmp2, $4  }
0x83: {  	[hbm4b:s4+s2] =	stream.linear.scatter [tilespmem:s11], [sflag:$0x2], $0x80, $0x38;
	[tilespmem:$0x2880] =	vst v63  }
0x84: {  	_ =	swait.ge [sflag:s12], $0x80  }
0x85: {  	[sflag:s12] =	ssyncset.done $0x0  }
0x86: {  	[sflag:s12] =	ssyncadd.s32 $0xFFFFFF80  }
.LBB2_5:
0x87: {  	_ =	sfence.sel $0x180000  }
0x88: {  	[bflag:$0x0] =	sbarrier.arrive $0xFFFF  }
0x89: {  	p0 =	sne.s32 s1, $0x0;
	_ =	strace $0x90000047  }
0x8a: {  	s0 =	sadd.s32 @!p0 $0x100000, s0;
	[bflag:$0x2] =	sbarrier.arrive $0xFFFF  }
0x8b: {  	[sflag:s0] =	ssyncadd.tile.s32 @!p0 $0x1;
	_ =	shalt  }
.Lfunc_end2:
_tile_overlayer_lowered:
.L_overlay_start_2:
0x8c: {  	(tag) =	ssettag $0x2  }
0x8d: {  	s0 =	rddreg [dreg:$0x0];
	s2 =	stileid.u32  }
0x8e: {  	s1 =	rddreg [dreg:$0x1];
	p0 =	sne.s32 s2, $0x0  }
0x8f: {  	s3 =	rddreg [dreg:$0x2];
	[bflag:$0x3] =	sbarrier.arrive $0xFFFF;
	s2 =	simm.s32 @!p0 $0x1C02  }
0x90: {  	[timem:s3], [sflag:s2] =	dma.local @!p0 [hbm:s0], s1  }
0x91: {  	s0 =	simm.s32 @!p0 $0x2  }
0x92: {  	_ =	swait.ge @!p0 [sflag:s0], s1  }
0x93: {  	s1 =	ssub.s32 @!p0 $0x0, s1;
	[sflag:s0] =	ssyncset.done @!p0 $0x0  }
0x94: {  	[sflag:s0] =	ssyncadd.s32 @!p0 s1  }
0x95: {  	[bflag:$0x3] =	sbarrier.arrive $0xFFFF  }
0x96: {  	_ =	shalt  }

</sc_bundles>
